<compile_context>
chip_gen: v7x
topology: tpu7x:2x2x1
jax: 0.10.2.dev20260603
libtpu: 0.0.44.dev20260713+nightly
codegen_flags: <defaults>
</compile_context>

<pallas_src>
import functools

import jax
import jax.numpy as jnp
from jax import lax
from jax.experimental import pallas as pl
from jax.experimental.pallas import tpu as pltpu
from jax.experimental.pallas import tpu_sc as plsc

SEMI_LAMBDA = 0.5
N_NODES = 100000
N_EDGES = 6400000
N_CLASSES = 16

NC = 2
NS = 16
NW = NC * NS
L = 16
NB = N_EDGES // 128
VPB = 128 // L
CBLK = 25
CHUNK_W = CBLK * 256
FULL = 62
TBLK = 13
TAIL_W = TBLK * 256

_sc_mesh = plsc.VectorSubcoreMesh(core_axis_name="c", subcore_axis_name="s")


@functools.partial(
    pl.kernel,
    mesh=_sc_mesh,
    compiler_params=pltpu.CompilerParams(needs_layout_passes=False),
    out_type=jax.ShapeDtypeStruct((NC, NS, L), jnp.float32),
    scratch_types=[
        pltpu.VMEM((N_NODES,), jnp.int32),
        pltpu.VMEM((CHUNK_W,), jnp.int32),
        pltpu.VMEM((CHUNK_W,), jnp.int32),
        pltpu.VMEM((L,), jnp.float32),
        pltpu.SemaphoreType.DMA,
        pltpu.SemaphoreType.DMA,
    ],
)
def _sc_edge(ptab_hbm, edges_hbm, out_hbm, table_v, ebuf0, ebuf1, accv, sem_t, sem_e):
    c = lax.axis_index("c")
    s = lax.axis_index("s")
    w = s * NC + c
    table_cp = pltpu.async_copy(ptab_hbm, table_v, sem_t)

    nblk = 1562 + jnp.where(w < 16, 1, 0)
    base_blk = 1562 * w + jnp.minimum(w, 16)
    base = base_blk * 256
    bufs = (ebuf0, ebuf1)

    def start(off_w, nwords, buf):
        pltpu.async_copy(
            edges_hbm.at[pl.ds(off_w, nwords)], bufs[buf].at[pl.ds(0, nwords)], sem_e
        )

    def wait(off_w, nwords, buf):
        pltpu.make_async_copy(
            edges_hbm.at[pl.ds(off_w, nwords)], bufs[buf].at[pl.ds(0, nwords)], sem_e
        ).wait()

    start(base, CHUNK_W, 0)
    table_cp.wait()

    def make_step(eb):
        def body(blk, acc):
            off = blk * 256
            for t in range(VPB):
                srcs = eb[pl.ds(off + t * L, L)]
                dsts = eb[pl.ds(off + 128 + t * L, L)]
                ws = plsc.load_gather(table_v, [srcs])
                wd = plsc.load_gather(table_v, [dsts])
                db = plsc.bitcast(ws, jnp.bfloat16) - plsc.bitcast(wd, jnp.bfloat16)
                d0, d1 = plsc.unpack(db, format=plsc.PackFormat.INTERLEAVED)
                acc = acc + d0 * d0
                acc = acc + d1 * d1
            return acc

        return body

    def do_chunk(g, b, acc):
        @pl.when(g + 1 < FULL)
        def _():
            start(base + (g + 1) * CHUNK_W, CHUNK_W, 1 - b)

        @pl.when(g + 1 == FULL)
        def _():
            start((base_blk + nblk - TBLK) * 256, TAIL_W, 1 - b)

        wait(base + g * CHUNK_W, CHUNK_W, b)
        return plsc.parallel_loop(0, CBLK, unroll=4, carry=acc)(make_step(bufs[b]))

    def outer(g2, acc):
        acc = do_chunk(2 * g2, 0, acc)
        acc = do_chunk(2 * g2 + 1, 1, acc)
        return acc

    acc = lax.fori_loop(0, FULL // 2, outer, jnp.zeros((L,), jnp.float32))
    wait((base_blk + nblk - TBLK) * 256, TAIL_W, 0)
    j0 = 1563 - nblk
    acc = plsc.parallel_loop(j0, TBLK, carry=acc)(make_step(ebuf0))
    accv[...] = acc
    pltpu.sync_copy(accv, out_hbm.at[c, s])




def _tc_body(pn_ref, gt_ref, m_ref, pe_ref, out_ref):
    p = pn_ref[...]
    gt = gt_ref[...]
    m = m_ref[...].astype(jnp.float32)
    rows = lax.broadcasted_iota(jnp.int32, (N_CLASSES, N_NODES), 0)
    pv = jnp.sum(jnp.where(rows == gt[None, :], p, 0.0), axis=0)
    nll = -jnp.sum(jnp.log(pv) * m) / jnp.sum(m)
    t = jnp.float32(N_NODES) - jnp.sum(pe_ref[1, :])
    out_ref[0] = nll
    out_ref[1] = t


_tc_nll = pl.pallas_call(
    _tc_body,
    out_specs=pl.BlockSpec(memory_space=pltpu.SMEM),
    out_shape=jax.ShapeDtypeStruct((2,), jnp.float32),
)


def _combine_body(parts_ref, tc_ref, out_ref):
    s = jnp.sum(parts_ref[...])
    out_ref[0] = tc_ref[0] + jnp.float32(SEMI_LAMBDA) * s * tc_ref[1]


_tc_combine = pl.pallas_call(
    _combine_body,
    in_specs=[
        pl.BlockSpec(memory_space=pltpu.VMEM),
        pl.BlockSpec(memory_space=pltpu.SMEM),
    ],
    out_specs=pl.BlockSpec(memory_space=pltpu.SMEM),
    out_shape=jax.ShapeDtypeStruct((1,), jnp.float32),
)


def kernel(poss_node, poss_edge, weights, groundTruth, mask, edges):
    pe_t = poss_edge.T
    pn_t = poss_node.T
    gt = groundTruth.astype(jnp.int32)
    m = mask.astype(jnp.int32)
    edges_n = edges.reshape(N_EDGES // 128, 128, 2).transpose(0, 2, 1).reshape(-1)
    pe_bf = poss_edge.astype(jnp.bfloat16)
    h0 = jax.lax.bitcast_convert_type(pe_bf[:, 0], jnp.uint16).astype(jnp.int32)
    h1 = jax.lax.bitcast_convert_type(pe_bf[:, 1], jnp.uint16).astype(jnp.int32)
    ptab = h0 | (h1 << 16)
    parts = _sc_edge(ptab, edges_n)
    tc = _tc_nll(pn_t, gt, m, pe_t)
    return jnp.reshape(_tc_combine(parts, tc), ())

# --- scband reference (transcript-rebuilt; emitter-appended) ---
"""Pipeline reference for scband-edge-loss-41824391529225 (READ-ONLY COPY).

The authoritative reference and input builder live on the scoring server;
editing this copy changes nothing except your own understanding.
"""

import jax, jax.numpy as jnp
import numpy as np

SEMI_LAMBDA = 0.5
EDGE_LAMBDA = 0.1
N_NODES = 100000
N_EDGES = 6400000
N_CLASSES = 16


def setup_inputs(seed: int = 0) -> dict:
    key = jax.random.key(seed)
    ks = jax.random.split(key, 6)
    poss_node = jax.random.uniform(ks[0], (N_NODES, N_CLASSES), dtype=jnp.float32, minval=0.05, maxval=1.0)
    poss_edge = jax.random.uniform(ks[1], (N_NODES, 2), dtype=jnp.float32, minval=0.05, maxval=1.0)
    weights = jax.random.uniform(ks[2], (N_EDGES,), dtype=jnp.float32)
    groundTruth = jax.random.randint(ks[3], (N_NODES,), 0, N_CLASSES, dtype=jnp.int32)
    mask = jax.random.randint(ks[4], (N_NODES,), 0, 2, dtype=jnp.int32) > 0
    edges = jax.random.randint(ks[5], (N_EDGES, 2), 0, N_NODES, dtype=jnp.int32)
    return {
        'poss_node': poss_node,
        'poss_edge': poss_edge,
        'weights': weights,
        'groundTruth': groundTruth,
        'mask': mask,
        'edges': edges,
    }


def reference(poss_node, poss_edge, weights, groundTruth, mask, edges):
    # nll_loss on masked nodes: mean over masked subset of -log(p[i, y_i])
    log_likelihood = jnp.log(poss_node)
    picked = jnp.take_along_axis(log_likelihood, groundTruth[:, None].astype(jnp.int32), axis=1)[:, 0]
    m = mask.astype(jnp.float32)
    loss = -jnp.sum(picked * m) / jnp.sum(m)

    # intrust = poss_edge[:, -1].detach()
    intrust = jax.lax.stop_gradient(poss_edge[:, -1])
    # edges_tensor() -> (edges, weights); weights unused in forward
    src = edges[:, 0]
    dst = edges[:, 1]
    diff = jnp.take(poss_edge, src, axis=0) - jnp.take(poss_edge, dst, axis=0)
    # faithful to torch: inner sum reduces to a scalar, then broadcast by (1 - intrust)
    semi_loss = jnp.sum((1.0 - intrust) * jnp.sum(diff ** 2))
    semi_loss = semi_loss * SEMI_LAMBDA

    # edge_loss path: label masks computed but edge_loss stays 0.0
    label_mask = (jnp.take(mask, src) | jnp.take(mask, dst)).astype(jnp.int32)
    both_label = (jnp.take(mask, src) & jnp.take(mask, dst)).astype(jnp.int32)
    single_label = label_mask - both_label  # computed, unused (faithful)
    edge_loss = 0.0
    edge_loss = edge_loss * EDGE_LAMBDA

    return loss + semi_loss + edge_loss

if __name__ == "__main__":
    import jax
    _d = setup_inputs()
    print(jax.jit(kernel)(*tuple(_d.values())))

</pallas_src>

<mosaic_0001>
#map = affine_map<(d0, d1) -> (0)>
#map1 = affine_map<(d0, d1) -> (0, 0, 0)>
module attributes {stable_mosaic.version = 14 : i64} {
  func.func @_sc_edge(%arg0: i32, %arg1: i32, %arg2: memref<100000xi32, #tpu.memory_space<hbm>>, %arg3: memref<12800000xi32, #tpu.memory_space<hbm>>, %arg4: memref<2x16x16xf32, #tpu.memory_space<hbm>>, %arg5: memref<100000xi32, #tpu.memory_space<vmem>>, %arg6: memref<6400xi32, #tpu.memory_space<vmem>>, %arg7: memref<6400xi32, #tpu.memory_space<vmem>>, %arg8: memref<16xf32, #tpu.memory_space<vmem>>, %arg9: memref<!tpu.dma_semaphore, #tpu.memory_space<semaphore_mem>>, %arg10: memref<!tpu.dma_semaphore, #tpu.memory_space<semaphore_mem>>) attributes {dimension_semantics = [#tpu.dimension_semantics<core_parallel>, #tpu.dimension_semantics<subcore_parallel>], iteration_bounds = array<i64: 2, 16>, scalar_prefetch = 0 : i64, scratch_operands = 6 : i64, tpu.core_type = #tpu.core_type<sc_vector_subcore>, window_params = [{transform_indices = #map}, {transform_indices = #map}, {transform_indices = #map1}]} {
    %mul3A = arith.constant 2 : i32
    %mul3A_0 = arith.muli %arg1, %mul3A : i32
    %add3A = arith.addi %mul3A_0, %arg0 : i32
    tpu.enqueue_dma source(%arg2 : memref<100000xi32, #tpu.memory_space<hbm>>) target(%arg5 : memref<100000xi32, #tpu.memory_space<vmem>>) target_semaphore(%arg9 : memref<!tpu.dma_semaphore, #tpu.memory_space<semaphore_mem>>)
    %lt3A = arith.constant 16 : i32
    %lt3A_1 = arith.cmpi slt, %add3A, %lt3A : i32
    %jit3A = arith.constant 1 : i32
    %jit3A_2 = arith.constant 0 : i32
    %select_n3A = arith.select %lt3A_1, %jit3A, %jit3A_2 : i32
    %add3A_3 = arith.constant 1562 : i32
    %add3A_4 = arith.addi %add3A_3, %select_n3A : i32
    %mul3A_5 = arith.constant 1562 : i32
    %mul3A_6 = arith.muli %mul3A_5, %add3A : i32
    %min3A = arith.constant 16 : i32
    %min3A_7 = arith.minsi %add3A, %min3A : i32
    %add3A_8 = arith.addi %mul3A_6, %min3A_7 : i32
    %mul3A_9 = arith.constant 256 : i32
    %mul3A_10 = arith.muli %add3A_8, %mul3A_9 : i32
    %dma_start3A = arith.constant 0 : i32
    %dma_start3A_11 = tpu.memref_slice %arg6[%dma_start3A] : memref<6400xi32, #tpu.memory_space<vmem>> -> memref<6400xi32, #tpu.memory_space<vmem>>
    %dma_start3A_12 = tpu.memref_slice %arg3[%mul3A_10] : memref<12800000xi32, #tpu.memory_space<hbm>> -> memref<6400xi32, #tpu.memory_space<hbm>>
    %dma_start3A_13 = arith.constant 0 : i32
    %dma_start3A_14 = tpu.memref_slice %arg6[%dma_start3A_13] : memref<6400xi32, #tpu.memory_space<vmem>> -> memref<6400xi32, #tpu.memory_space<vmem>>
    %dma_start3A_15 = tpu.memref_slice %arg3[%mul3A_10] : memref<12800000xi32, #tpu.memory_space<hbm>> -> memref<6400xi32, #tpu.memory_space<hbm>>
    tpu.enqueue_dma source(%dma_start3A_15 : memref<6400xi32, #tpu.memory_space<hbm>>) target(%dma_start3A_14 : memref<6400xi32, #tpu.memory_space<vmem>>) target_semaphore(%arg10 : memref<!tpu.dma_semaphore, #tpu.memory_space<semaphore_mem>>)
    tpu.wait_dma2 semaphore(%arg9 : memref<!tpu.dma_semaphore, #tpu.memory_space<semaphore_mem>>) src(%arg2 : memref<100000xi32, #tpu.memory_space<hbm>>) dst(%arg5 : memref<100000xi32, #tpu.memory_space<vmem>>)
    %broadcast_in_dim3A = arith.constant 0.000000e+00 : f32
    %broadcast_in_dim3A_16 = vector.broadcast %broadcast_in_dim3A : f32 to vector<16xf32>
    %scan3A = arith.constant 0 : i32
    %scan3A_17 = arith.constant 31 : i32
    %scan3A_18 = arith.addi %scan3A, %scan3A_17 : i32
    %scan3A_19 = arith.constant 1 : i32
    %scan3A_20 = scf.for %scan3A_36 = %scan3A to %scan3A_18 step %scan3A_19 iter_args(%scan3A_37 = %broadcast_in_dim3A_16) -> (vector<16xf32>)  : i32 {
      %mul3A_38 = arith.constant 2 : i32
      %mul3A_39 = arith.muli %mul3A_38, %scan3A_36 : i32
      %add3A_40 = arith.constant 1 : i32
      %add3A_41 = arith.addi %mul3A_39, %add3A_40 : i32
      %lt3A_42 = arith.constant 62 : i32
      %lt3A_43 = arith.cmpi slt, %add3A_41, %lt3A_42 : i32
      %convert_element_type3A = arith.extui %lt3A_43 : i1 to i32
      %cond3A = arith.constant 0 : i32
      %cond3A_44 = arith.cmpi ne, %convert_element_type3A, %cond3A : i32
      scf.if %cond3A_44 {
        %add3A_95 = arith.constant 1 : i32
        %add3A_96 = arith.addi %mul3A_39, %add3A_95 : i32
        %mul3A_97 = arith.constant 6400 : i32
        %mul3A_98 = arith.muli %add3A_96, %mul3A_97 : i32
        %add3A_99 = arith.addi %mul3A_10, %mul3A_98 : i32
        %dma_start3A_100 = arith.constant 0 : i32
        %dma_start3A_101 = tpu.memref_slice %arg7[%dma_start3A_100] : memref<6400xi32, #tpu.memory_space<vmem>> -> memref<6400xi32, #tpu.memory_space<vmem>>
        %dma_start3A_102 = tpu.memref_slice %arg3[%add3A_99] : memref<12800000xi32, #tpu.memory_space<hbm>> -> memref<6400xi32, #tpu.memory_space<hbm>>
        %dma_start3A_103 = arith.constant 0 : i32
        %dma_start3A_104 = tpu.memref_slice %arg7[%dma_start3A_103] : memref<6400xi32, #tpu.memory_space<vmem>> -> memref<6400xi32, #tpu.memory_space<vmem>>
        %dma_start3A_105 = tpu.memref_slice %arg3[%add3A_99] : memref<12800000xi32, #tpu.memory_space<hbm>> -> memref<6400xi32, #tpu.memory_space<hbm>>
        tpu.enqueue_dma source(%dma_start3A_105 : memref<6400xi32, #tpu.memory_space<hbm>>) target(%dma_start3A_104 : memref<6400xi32, #tpu.memory_space<vmem>>) target_semaphore(%arg10 : memref<!tpu.dma_semaphore, #tpu.memory_space<semaphore_mem>>)
      } else {
      }
      %add3A_45 = arith.constant 1 : i32
      %add3A_46 = arith.addi %mul3A_39, %add3A_45 : i32
      %eq3A = arith.constant 62 : i32
      %eq3A_47 = arith.cmpi eq, %add3A_46, %eq3A : i32
      %convert_element_type3A_48 = arith.extui %eq3A_47 : i1 to i32
      %cond3A_49 = arith.constant 0 : i32
      %cond3A_50 = arith.cmpi ne, %convert_element_type3A_48, %cond3A_49 : i32
      scf.if %cond3A_50 {
        %add3A_95 = arith.addi %add3A_8, %add3A_4 : i32
        %sub3A_96 = arith.constant 13 : i32
        %sub3A_97 = arith.subi %add3A_95, %sub3A_96 : i32
        %mul3A_98 = arith.constant 256 : i32
        %mul3A_99 = arith.muli %sub3A_97, %mul3A_98 : i32
        %dma_start3A_100 = arith.constant 0 : i32
        %dma_start3A_101 = tpu.memref_slice %arg7[%dma_start3A_100] : memref<6400xi32, #tpu.memory_space<vmem>> -> memref<3328xi32, #tpu.memory_space<vmem>>
        %dma_start3A_102 = tpu.memref_slice %arg3[%mul3A_99] : memref<12800000xi32, #tpu.memory_space<hbm>> -> memref<3328xi32, #tpu.memory_space<hbm>>
        %dma_start3A_103 = arith.constant 0 : i32
        %dma_start3A_104 = tpu.memref_slice %arg7[%dma_start3A_103] : memref<6400xi32, #tpu.memory_space<vmem>> -> memref<3328xi32, #tpu.memory_space<vmem>>
        %dma_start3A_105 = tpu.memref_slice %arg3[%mul3A_99] : memref<12800000xi32, #tpu.memory_space<hbm>> -> memref<3328xi32, #tpu.memory_space<hbm>>
        tpu.enqueue_dma source(%dma_start3A_105 : memref<3328xi32, #tpu.memory_space<hbm>>) target(%dma_start3A_104 : memref<3328xi32, #tpu.memory_space<vmem>>) target_semaphore(%arg10 : memref<!tpu.dma_semaphore, #tpu.memory_space<semaphore_mem>>)
      } else {
      }
      %mul3A_51 = arith.constant 6400 : i32
      %mul3A_52 = arith.muli %mul3A_39, %mul3A_51 : i32
      %add3A_53 = arith.addi %mul3A_10, %mul3A_52 : i32
      %dma_wait3A_54 = arith.constant 0 : i32
      %dma_wait3A_55 = tpu.memref_slice %arg6[%dma_wait3A_54] : memref<6400xi32, #tpu.memory_space<vmem>> -> memref<6400xi32, #tpu.memory_space<vmem>>
      %dma_wait3A_56 = tpu.memref_slice %arg3[%add3A_53] : memref<12800000xi32, #tpu.memory_space<hbm>> -> memref<6400xi32, #tpu.memory_space<hbm>>
      %dma_wait3A_57 = arith.constant 0 : i32
      %dma_wait3A_58 = tpu.memref_slice %arg6[%dma_wait3A_57] : memref<6400xi32, #tpu.memory_space<vmem>> -> memref<6400xi32, #tpu.memory_space<vmem>>
      %dma_wait3A_59 = tpu.memref_slice %arg3[%add3A_53] : memref<12800000xi32, #tpu.memory_space<hbm>> -> memref<6400xi32, #tpu.memory_space<hbm>>
      tpu.wait_dma2 semaphore(%arg10 : memref<!tpu.dma_semaphore, #tpu.memory_space<semaphore_mem>>) src(%dma_wait3A_59 : memref<6400xi32, #tpu.memory_space<hbm>>) dst(%dma_wait3A_58 : memref<6400xi32, #tpu.memory_space<vmem>>)
      %parallel_loop3A_60 = arith.constant 0 : i32
      %parallel_loop3A_61 = arith.constant 25 : i32
      %parallel_loop3A_62 = arith.constant 1 : i32
      %parallel_loop3A_63 = scf.for %parallel_loop3A_95 = %parallel_loop3A_60 to %parallel_loop3A_61 step %parallel_loop3A_62 iter_args(%parallel_loop3A_96 = %scan3A_37) -> (vector<16xf32>)  : i32 {
        %parallel_loop3A_97 = arith.constant 256 : i32
        %parallel_loop3A_98 = arith.muli %parallel_loop3A_95, %parallel_loop3A_97 : i32
        %parallel_loop3A_99 = arith.constant 0 : i32
        %parallel_loop3A_100 = arith.addi %parallel_loop3A_98, %parallel_loop3A_99 : i32
        %parallel_loop3A_101 = arith.index_cast %parallel_loop3A_100 : i32 to index
        %parallel_loop3A_102 = tpu.vector_load %arg6[%parallel_loop3A_101] {strides = array<i32>} : memref<6400xi32, #tpu.memory_space<vmem>>, vector<16xi32>,
        %parallel_loop3A_103 = arith.constant 128 : i32
        %parallel_loop3A_104 = arith.addi %parallel_loop3A_98, %parallel_loop3A_103 : i32
        %parallel_loop3A_105 = arith.constant 0 : i32
        %parallel_loop3A_106 = arith.addi %parallel_loop3A_104, %parallel_loop3A_105 : i32
        %parallel_loop3A_107 = arith.index_cast %parallel_loop3A_106 : i32 to index
        %parallel_loop3A_108 = tpu.vector_load %arg6[%parallel_loop3A_107] {strides = array<i32>} : memref<6400xi32, #tpu.memory_space<vmem>>, vector<16xi32>,
        %parallel_loop3A_109 = tpu.vector_load_idx %arg5[%parallel_loop3A_102] : memref<100000xi32, #tpu.memory_space<vmem>>[vector<16xi32>], vector<16xi32>,
        %parallel_loop3A_110 = tpu.vector_load_idx %arg5[%parallel_loop3A_108] : memref<100000xi32, #tpu.memory_space<vmem>>[vector<16xi32>], vector<16xi32>,
        %parallel_loop3A_111 = vector.bitcast %parallel_loop3A_109 : vector<16xi32> to vector<32xbf16>
        %parallel_loop3A_112 = vector.bitcast %parallel_loop3A_110 : vector<16xi32> to vector<32xbf16>
        %parallel_loop3A_113 = arith.subf %parallel_loop3A_111, %parallel_loop3A_112 : vector<32xbf16>
        %parallel_loop3A_114 = tpu.unpack_subelements %parallel_loop3A_113, 0 {pack_format = #tpu.pack_format<interleaved>} : vector<32xbf16> -> vector<16xf32>
        %parallel_loop3A_115 = tpu.unpack_subelements %parallel_loop3A_113, 1 {pack_format = #tpu.pack_format<interleaved>} : vector<32xbf16> -> vector<16xf32>
        %parallel_loop3A_116 = arith.mulf %parallel_loop3A_114, %parallel_loop3A_114 : vector<16xf32>
        %parallel_loop3A_117 = arith.addf %parallel_loop3A_96, %parallel_loop3A_116 : vector<16xf32>
        %parallel_loop3A_118 = arith.mulf %parallel_loop3A_115, %parallel_loop3A_115 : vector<16xf32>
        %parallel_loop3A_119 = arith.addf %parallel_loop3A_117, %parallel_loop3A_118 : vector<16xf32>
        %parallel_loop3A_120 = arith.constant 16 : i32
        %parallel_loop3A_121 = arith.addi %parallel_loop3A_98, %parallel_loop3A_120 : i32
        %parallel_loop3A_122 = arith.index_cast %parallel_loop3A_121 : i32 to index
        %parallel_loop3A_123 = tpu.vector_load %arg6[%parallel_loop3A_122] {strides = array<i32>} : memref<6400xi32, #tpu.memory_space<vmem>>, vector<16xi32>,
        %parallel_loop3A_124 = arith.constant 128 : i32
        %parallel_loop3A_125 = arith.addi %parallel_loop3A_98, %parallel_loop3A_124 : i32
        %parallel_loop3A_126 = arith.constant 16 : i32
        %parallel_loop3A_127 = arith.addi %parallel_loop3A_125, %parallel_loop3A_126 : i32
        %parallel_loop3A_128 = arith.index_cast %parallel_loop3A_127 : i32 to index
        %parallel_loop3A_129 = tpu.vector_load %arg6[%parallel_loop3A_128] {strides = array<i32>} : memref<6400xi32, #tpu.memory_space<vmem>>, vector<16xi32>,
        %parallel_loop3A_130 = tpu.vector_load_idx %arg5[%parallel_loop3A_123] : memref<100000xi32, #tpu.memory_space<vmem>>[vector<16xi32>], vector<16xi32>,
        %parallel_loop3A_131 = tpu.vector_load_idx %arg5[%parallel_loop3A_129] : memref<100000xi32, #tpu.memory_space<vmem>>[vector<16xi32>], vector<16xi32>,
        %parallel_loop3A_132 = vector.bitcast %parallel_loop3A_130 : vector<16xi32> to vector<32xbf16>
        %parallel_loop3A_133 = vector.bitcast %parallel_loop3A_131 : vector<16xi32> to vector<32xbf16>
        %parallel_loop3A_134 = arith.subf %parallel_loop3A_132, %parallel_loop3A_133 : vector<32xbf16>
        %parallel_loop3A_135 = tpu.unpack_subelements %parallel_loop3A_134, 0 {pack_format = #tpu.pack_format<interleaved>} : vector<32xbf16> -> vector<16xf32>
        %parallel_loop3A_136 = tpu.unpack_subelements %parallel_loop3A_134, 1 {pack_format = #tpu.pack_format<interleaved>} : vector<32xbf16> -> vector<16xf32>
        %parallel_loop3A_137 = arith.mulf %parallel_loop3A_135, %parallel_loop3A_135 : vector<16xf32>
        %parallel_loop3A_138 = arith.addf %parallel_loop3A_119, %parallel_loop3A_137 : vector<16xf32>
        %parallel_loop3A_139 = arith.mulf %parallel_loop3A_136, %parallel_loop3A_136 : vector<16xf32>
        %parallel_loop3A_140 = arith.addf %parallel_loop3A_138, %parallel_loop3A_139 : vector<16xf32>
        %parallel_loop3A_141 = arith.constant 32 : i32
        %parallel_loop3A_142 = arith.addi %parallel_loop3A_98, %parallel_loop3A_141 : i32
        %parallel_loop3A_143 = arith.index_cast %parallel_loop3A_142 : i32 to index
        %parallel_loop3A_144 = tpu.vector_load %arg6[%parallel_loop3A_143] {strides = array<i32>} : memref<6400xi32, #tpu.memory_space<vmem>>, vector<16xi32>,
        %parallel_loop3A_145 = arith.constant 128 : i32
        %parallel_loop3A_146 = arith.addi %parallel_loop3A_98, %parallel_loop3A_145 : i32
        %parallel_loop3A_147 = arith.constant 32 : i32
        %parallel_loop3A_148 = arith.addi %parallel_loop3A_146, %parallel_loop3A_147 : i32
        %parallel_loop3A_149 = arith.index_cast %parallel_loop3A_148 : i32 to index
        %parallel_loop3A_150 = tpu.vector_load %arg6[%parallel_loop3A_149] {strides = array<i32>} : memref<6400xi32, #tpu.memory_space<vmem>>, vector<16xi32>,
        %parallel_loop3A_151 = tpu.vector_load_idx %arg5[%parallel_loop3A_144] : memref<100000xi32, #tpu.memory_space<vmem>>[vector<16xi32>], vector<16xi32>,
        %parallel_loop3A_152 = tpu.vector_load_idx %arg5[%parallel_loop3A_150] : memref<100000xi32, #tpu.memory_space<vmem>>[vector<16xi32>], vector<16xi32>,
        %parallel_loop3A_153 = vector.bitcast %parallel_loop3A_151 : vector<16xi32> to vector<32xbf16>
        %parallel_loop3A_154 = vector.bitcast %parallel_loop3A_152 : vector<16xi32> to vector<32xbf16>
        %parallel_loop3A_155 = arith.subf %parallel_loop3A_153, %parallel_loop3A_154 : vector<32xbf16>
        %parallel_loop3A_156 = tpu.unpack_subelements %parallel_loop3A_155, 0 {pack_format = #tpu.pack_format<interleaved>} : vector<32xbf16> -> vector<16xf32>
        %parallel_loop3A_157 = tpu.unpack_subelements %parallel_loop3A_155, 1 {pack_format = #tpu.pack_format<interleaved>} : vector<32xbf16> -> vector<16xf32>
        %parallel_loop3A_158 = arith.mulf %parallel_loop3A_156, %parallel_loop3A_156 : vector<16xf32>
        %parallel_loop3A_159 = arith.addf %parallel_loop3A_140, %parallel_loop3A_158 : vector<16xf32>
        %parallel_loop3A_160 = arith.mulf %parallel_loop3A_157, %parallel_loop3A_157 : vector<16xf32>
        %parallel_loop3A_161 = arith.addf %parallel_loop3A_159, %parallel_loop3A_160 : vector<16xf32>
        %parallel_loop3A_162 = arith.constant 48 : i32
        %parallel_loop3A_163 = arith.addi %parallel_loop3A_98, %parallel_loop3A_162 : i32
        %parallel_loop3A_164 = arith.index_cast %parallel_loop3A_163 : i32 to index
        %parallel_loop3A_165 = tpu.vector_load %arg6[%parallel_loop3A_164] {strides = array<i32>} : memref<6400xi32, #tpu.memory_space<vmem>>, vector<16xi32>,
        %parallel_loop3A_166 = arith.constant 128 : i32
        %parallel_loop3A_167 = arith.addi %parallel_loop3A_98, %parallel_loop3A_166 : i32
        %parallel_loop3A_168 = arith.constant 48 : i32
        %parallel_loop3A_169 = arith.addi %parallel_loop3A_167, %parallel_loop3A_168 : i32
        %parallel_loop3A_170 = arith.index_cast %parallel_loop3A_169 : i32 to index
        %parallel_loop3A_171 = tpu.vector_load %arg6[%parallel_loop3A_170] {strides = array<i32>} : memref<6400xi32, #tpu.memory_space<vmem>>, vector<16xi32>,
        %parallel_loop3A_172 = tpu.vector_load_idx %arg5[%parallel_loop3A_165] : memref<100000xi32, #tpu.memory_space<vmem>>[vector<16xi32>], vector<16xi32>,
        %parallel_loop3A_173 = tpu.vector_load_idx %arg5[%parallel_loop3A_171] : memref<100000xi32, #tpu.memory_space<vmem>>[vector<16xi32>], vector<16xi32>,
        %parallel_loop3A_174 = vector.bitcast %parallel_loop3A_172 : vector<16xi32> to vector<32xbf16>
        %parallel_loop3A_175 = vector.bitcast %parallel_loop3A_173 : vector<16xi32> to vector<32xbf16>
        %parallel_loop3A_176 = arith.subf %parallel_loop3A_174, %parallel_loop3A_175 : vector<32xbf16>
        %parallel_loop3A_177 = tpu.unpack_subelements %parallel_loop3A_176, 0 {pack_format = #tpu.pack_format<interleaved>} : vector<32xbf16> -> vector<16xf32>
        %parallel_loop3A_178 = tpu.unpack_subelements %parallel_loop3A_176, 1 {pack_format = #tpu.pack_format<interleaved>} : vector<32xbf16> -> vector<16xf32>
        %parallel_loop3A_179 = arith.mulf %parallel_loop3A_177, %parallel_loop3A_177 : vector<16xf32>
        %parallel_loop3A_180 = arith.addf %parallel_loop3A_161, %parallel_loop3A_179 : vector<16xf32>
        %parallel_loop3A_181 = arith.mulf %parallel_loop3A_178, %parallel_loop3A_178 : vector<16xf32>
        %parallel_loop3A_182 = arith.addf %parallel_loop3A_180, %parallel_loop3A_181 : vector<16xf32>
        %parallel_loop3A_183 = arith.constant 64 : i32
        %parallel_loop3A_184 = arith.addi %parallel_loop3A_98, %parallel_loop3A_183 : i32
        %parallel_loop3A_185 = arith.index_cast %parallel_loop3A_184 : i32 to index
        %parallel_loop3A_186 = tpu.vector_load %arg6[%parallel_loop3A_185] {strides = array<i32>} : memref<6400xi32, #tpu.memory_space<vmem>>, vector<16xi32>,
        %parallel_loop3A_187 = arith.constant 128 : i32
        %parallel_loop3A_188 = arith.addi %parallel_loop3A_98, %parallel_loop3A_187 : i32
        %parallel_loop3A_189 = arith.constant 64 : i32
        %parallel_loop3A_190 = arith.addi %parallel_loop3A_188, %parallel_loop3A_189 : i32
        %parallel_loop3A_191 = arith.index_cast %parallel_loop3A_190 : i32 to index
        %parallel_loop3A_192 = tpu.vector_load %arg6[%parallel_loop3A_191] {strides = array<i32>} : memref<6400xi32, #tpu.memory_space<vmem>>, vector<16xi32>,
        %parallel_loop3A_193 = tpu.vector_load_idx %arg5[%parallel_loop3A_186] : memref<100000xi32, #tpu.memory_space<vmem>>[vector<16xi32>], vector<16xi32>,
        %parallel_loop3A_194 = tpu.vector_load_idx %arg5[%parallel_loop3A_192] : memref<100000xi32, #tpu.memory_space<vmem>>[vector<16xi32>], vector<16xi32>,
        %parallel_loop3A_195 = vector.bitcast %parallel_loop3A_193 : vector<16xi32> to vector<32xbf16>
        %parallel_loop3A_196 = vector.bitcast %parallel_loop3A_194 : vector<16xi32> to vector<32xbf16>
        %parallel_loop3A_197 = arith.subf %parallel_loop3A_195, %parallel_loop3A_196 : vector<32xbf16>
        %parallel_loop3A_198 = tpu.unpack_subelements %parallel_loop3A_197, 0 {pack_format = #tpu.pack_format<interleaved>} : vector<32xbf16> -> vector<16xf32>
        %parallel_loop3A_199 = tpu.unpack_subelements %parallel_loop3A_197, 1 {pack_format = #tpu.pack_format<interleaved>} : vector<32xbf16> -> vector<16xf32>
        %parallel_loop3A_200 = arith.mulf %parallel_loop3A_198, %parallel_loop3A_198 : vector<16xf32>
        %parallel_loop3A_201 = arith.addf %parallel_loop3A_182, %parallel_loop3A_200 : vector<16xf32>
        %parallel_loop3A_202 = arith.mulf %parallel_loop3A_199, %parallel_loop3A_199 : vector<16xf32>
        %parallel_loop3A_203 = arith.addf %parallel_loop3A_201, %parallel_loop3A_202 : vector<16xf32>
        %parallel_loop3A_204 = arith.constant 80 : i32
        %parallel_loop3A_205 = arith.addi %parallel_loop3A_98, %parallel_loop3A_204 : i32
        %parallel_loop3A_206 = arith.index_cast %parallel_loop3A_205 : i32 to index
        %parallel_loop3A_207 = tpu.vector_load %arg6[%parallel_loop3A_206] {strides = array<i32>} : memref<6400xi32, #tpu.memory_space<vmem>>, vector<16xi32>,
        %parallel_loop3A_208 = arith.constant 128 : i32
        %parallel_loop3A_209 = arith.addi %parallel_loop3A_98, %parallel_loop3A_208 : i32
        %parallel_loop3A_210 = arith.constant 80 : i32
        %parallel_loop3A_211 = arith.addi %parallel_loop3A_209, %parallel_loop3A_210 : i32
        %parallel_loop3A_212 = arith.index_cast %parallel_loop3A_211 : i32 to index
        %parallel_loop3A_213 = tpu.vector_load %arg6[%parallel_loop3A_212] {strides = array<i32>} : memref<6400xi32, #tpu.memory_space<vmem>>, vector<16xi32>,
        %parallel_loop3A_214 = tpu.vector_load_idx %arg5[%parallel_loop3A_207] : memref<100000xi32, #tpu.memory_space<vmem>>[vector<16xi32>], vector<16xi32>,
        %parallel_loop3A_215 = tpu.vector_load_idx %arg5[%parallel_loop3A_213] : memref<100000xi32, #tpu.memory_space<vmem>>[vector<16xi32>], vector<16xi32>,
        %parallel_loop3A_216 = vector.bitcast %parallel_loop3A_214 : vector<16xi32> to vector<32xbf16>
        %parallel_loop3A_217 = vector.bitcast %parallel_loop3A_215 : vector<16xi32> to vector<32xbf16>
        %parallel_loop3A_218 = arith.subf %parallel_loop3A_216, %parallel_loop3A_217 : vector<32xbf16>
        %parallel_loop3A_219 = tpu.unpack_subelements %parallel_loop3A_218, 0 {pack_format = #tpu.pack_format<interleaved>} : vector<32xbf16> -> vector<16xf32>
        %parallel_loop3A_220 = tpu.unpack_subelements %parallel_loop3A_218, 1 {pack_format = #tpu.pack_format<interleaved>} : vector<32xbf16> -> vector<16xf32>
        %parallel_loop3A_221 = arith.mulf %parallel_loop3A_219, %parallel_loop3A_219 : vector<16xf32>
        %parallel_loop3A_222 = arith.addf %parallel_loop3A_203, %parallel_loop3A_221 : vector<16xf32>
        %parallel_loop3A_223 = arith.mulf %parallel_loop3A_220, %parallel_loop3A_220 : vector<16xf32>
        %parallel_loop3A_224 = arith.addf %parallel_loop3A_222, %parallel_loop3A_223 : vector<16xf32>
        %parallel_loop3A_225 = arith.constant 96 : i32
        %parallel_loop3A_226 = arith.addi %parallel_loop3A_98, %parallel_loop3A_225 : i32
        %parallel_loop3A_227 = arith.index_cast %parallel_loop3A_226 : i32 to index
        %parallel_loop3A_228 = tpu.vector_load %arg6[%parallel_loop3A_227] {strides = array<i32>} : memref<6400xi32, #tpu.memory_space<vmem>>, vector<16xi32>,
        %parallel_loop3A_229 = arith.constant 128 : i32
        %parallel_loop3A_230 = arith.addi %parallel_loop3A_98, %parallel_loop3A_229 : i32
        %parallel_loop3A_231 = arith.constant 96 : i32
        %parallel_loop3A_232 = arith.addi %parallel_loop3A_230, %parallel_loop3A_231 : i32
        %parallel_loop3A_233 = arith.index_cast %parallel_loop3A_232 : i32 to index
        %parallel_loop3A_234 = tpu.vector_load %arg6[%parallel_loop3A_233] {strides = array<i32>} : memref<6400xi32, #tpu.memory_space<vmem>>, vector<16xi32>,
        %parallel_loop3A_235 = tpu.vector_load_idx %arg5[%parallel_loop3A_228] : memref<100000xi32, #tpu.memory_space<vmem>>[vector<16xi32>], vector<16xi32>,
        %parallel_loop3A_236 = tpu.vector_load_idx %arg5[%parallel_loop3A_234] : memref<100000xi32, #tpu.memory_space<vmem>>[vector<16xi32>], vector<16xi32>,
        %parallel_loop3A_237 = vector.bitcast %parallel_loop3A_235 : vector<16xi32> to vector<32xbf16>
        %parallel_loop3A_238 = vector.bitcast %parallel_loop3A_236 : vector<16xi32> to vector<32xbf16>
        %parallel_loop3A_239 = arith.subf %parallel_loop3A_237, %parallel_loop3A_238 : vector<32xbf16>
        %parallel_loop3A_240 = tpu.unpack_subelements %parallel_loop3A_239, 0 {pack_format = #tpu.pack_format<interleaved>} : vector<32xbf16> -> vector<16xf32>
        %parallel_loop3A_241 = tpu.unpack_subelements %parallel_loop3A_239, 1 {pack_format = #tpu.pack_format<interleaved>} : vector<32xbf16> -> vector<16xf32>
        %parallel_loop3A_242 = arith.mulf %parallel_loop3A_240, %parallel_loop3A_240 : vector<16xf32>
        %parallel_loop3A_243 = arith.addf %parallel_loop3A_224, %parallel_loop3A_242 : vector<16xf32>
        %parallel_loop3A_244 = arith.mulf %parallel_loop3A_241, %parallel_loop3A_241 : vector<16xf32>
        %parallel_loop3A_245 = arith.addf %parallel_loop3A_243, %parallel_loop3A_244 : vector<16xf32>
        %parallel_loop3A_246 = arith.constant 112 : i32
        %parallel_loop3A_247 = arith.addi %parallel_loop3A_98, %parallel_loop3A_246 : i32
        %parallel_loop3A_248 = arith.index_cast %parallel_loop3A_247 : i32 to index
        %parallel_loop3A_249 = tpu.vector_load %arg6[%parallel_loop3A_248] {strides = array<i32>} : memref<6400xi32, #tpu.memory_space<vmem>>, vector<16xi32>,
        %parallel_loop3A_250 = arith.constant 128 : i32
        %parallel_loop3A_251 = arith.addi %parallel_loop3A_98, %parallel_loop3A_250 : i32
        %parallel_loop3A_252 = arith.constant 112 : i32
        %parallel_loop3A_253 = arith.addi %parallel_loop3A_251, %parallel_loop3A_252 : i32
        %parallel_loop3A_254 = arith.index_cast %parallel_loop3A_253 : i32 to index
        %parallel_loop3A_255 = tpu.vector_load %arg6[%parallel_loop3A_254] {strides = array<i32>} : memref<6400xi32, #tpu.memory_space<vmem>>, vector<16xi32>,
        %parallel_loop3A_256 = tpu.vector_load_idx %arg5[%parallel_loop3A_249] : memref<100000xi32, #tpu.memory_space<vmem>>[vector<16xi32>], vector<16xi32>,
        %parallel_loop3A_257 = tpu.vector_load_idx %arg5[%parallel_loop3A_255] : memref<100000xi32, #tpu.memory_space<vmem>>[vector<16xi32>], vector<16xi32>,
        %parallel_loop3A_258 = vector.bitcast %parallel_loop3A_256 : vector<16xi32> to vector<32xbf16>
        %parallel_loop3A_259 = vector.bitcast %parallel_loop3A_257 : vector<16xi32> to vector<32xbf16>
        %parallel_loop3A_260 = arith.subf %parallel_loop3A_258, %parallel_loop3A_259 : vector<32xbf16>
        %parallel_loop3A_261 = tpu.unpack_subelements %parallel_loop3A_260, 0 {pack_format = #tpu.pack_format<interleaved>} : vector<32xbf16> -> vector<16xf32>
        %parallel_loop3A_262 = tpu.unpack_subelements %parallel_loop3A_260, 1 {pack_format = #tpu.pack_format<interleaved>} : vector<32xbf16> -> vector<16xf32>
        %parallel_loop3A_263 = arith.mulf %parallel_loop3A_261, %parallel_loop3A_261 : vector<16xf32>
        %parallel_loop3A_264 = arith.addf %parallel_loop3A_245, %parallel_loop3A_263 : vector<16xf32>
        %parallel_loop3A_265 = arith.mulf %parallel_loop3A_262, %parallel_loop3A_262 : vector<16xf32>
        %parallel_loop3A_266 = arith.addf %parallel_loop3A_264, %parallel_loop3A_265 : vector<16xf32>
        scf.yield %parallel_loop3A_266 : vector<16xf32>
      } {sc.loop_unroll_factor = 4 : i64, sc.parallel_access}
      %mul3A_64 = arith.constant 2 : i32
      %mul3A_65 = arith.muli %mul3A_64, %scan3A_36 : i32
      %add3A_66 = arith.constant 1 : i32
      %add3A_67 = arith.addi %mul3A_65, %add3A_66 : i32
      %add3A_68 = arith.constant 1 : i32
      %add3A_69 = arith.addi %add3A_67, %add3A_68 : i32
      %lt3A_70 = arith.constant 62 : i32
      %lt3A_71 = arith.cmpi slt, %add3A_69, %lt3A_70 : i32
      %convert_element_type3A_72 = arith.extui %lt3A_71 : i1 to i32
      %cond3A_73 = arith.constant 0 : i32
      %cond3A_74 = arith.cmpi ne, %convert_element_type3A_72, %cond3A_73 : i32
      scf.if %cond3A_74 {
        %add3A_95 = arith.constant 1 : i32
        %add3A_96 = arith.addi %add3A_67, %add3A_95 : i32
        %mul3A_97 = arith.constant 6400 : i32
        %mul3A_98 = arith.muli %add3A_96, %mul3A_97 : i32
        %add3A_99 = arith.addi %mul3A_10, %mul3A_98 : i32
        %dma_start3A_100 = arith.constant 0 : i32
        %dma_start3A_101 = tpu.memref_slice %arg6[%dma_start3A_100] : memref<6400xi32, #tpu.memory_space<vmem>> -> memref<6400xi32, #tpu.memory_space<vmem>>
        %dma_start3A_102 = tpu.memref_slice %arg3[%add3A_99] : memref<12800000xi32, #tpu.memory_space<hbm>> -> memref<6400xi32, #tpu.memory_space<hbm>>
        %dma_start3A_103 = arith.constant 0 : i32
        %dma_start3A_104 = tpu.memref_slice %arg6[%dma_start3A_103] : memref<6400xi32, #tpu.memory_space<vmem>> -> memref<6400xi32, #tpu.memory_space<vmem>>
        %dma_start3A_105 = tpu.memref_slice %arg3[%add3A_99] : memref<12800000xi32, #tpu.memory_space<hbm>> -> memref<6400xi32, #tpu.memory_space<hbm>>
        tpu.enqueue_dma source(%dma_start3A_105 : memref<6400xi32, #tpu.memory_space<hbm>>) target(%dma_start3A_104 : memref<6400xi32, #tpu.memory_space<vmem>>) target_semaphore(%arg10 : memref<!tpu.dma_semaphore, #tpu.memory_space<semaphore_mem>>)
      } else {
      }
      %add3A_75 = arith.constant 1 : i32
      %add3A_76 = arith.addi %add3A_67, %add3A_75 : i32
      %eq3A_77 = arith.constant 62 : i32
      %eq3A_78 = arith.cmpi eq, %add3A_76, %eq3A_77 : i32
      %convert_element_type3A_79 = arith.extui %eq3A_78 : i1 to i32
      %cond3A_80 = arith.constant 0 : i32
      %cond3A_81 = arith.cmpi ne, %convert_element_type3A_79, %cond3A_80 : i32
      scf.if %cond3A_81 {
        %add3A_95 = arith.addi %add3A_8, %add3A_4 : i32
        %sub3A_96 = arith.constant 13 : i32
        %sub3A_97 = arith.subi %add3A_95, %sub3A_96 : i32
        %mul3A_98 = arith.constant 256 : i32
        %mul3A_99 = arith.muli %sub3A_97, %mul3A_98 : i32
        %dma_start3A_100 = arith.constant 0 : i32
        %dma_start3A_101 = tpu.memref_slice %arg6[%dma_start3A_100] : memref<6400xi32, #tpu.memory_space<vmem>> -> memref<3328xi32, #tpu.memory_space<vmem>>
        %dma_start3A_102 = tpu.memref_slice %arg3[%mul3A_99] : memref<12800000xi32, #tpu.memory_space<hbm>> -> memref<3328xi32, #tpu.memory_space<hbm>>
        %dma_start3A_103 = arith.constant 0 : i32
        %dma_start3A_104 = tpu.memref_slice %arg6[%dma_start3A_103] : memref<6400xi32, #tpu.memory_space<vmem>> -> memref<3328xi32, #tpu.memory_space<vmem>>
        %dma_start3A_105 = tpu.memref_slice %arg3[%mul3A_99] : memref<12800000xi32, #tpu.memory_space<hbm>> -> memref<3328xi32, #tpu.memory_space<hbm>>
        tpu.enqueue_dma source(%dma_start3A_105 : memref<3328xi32, #tpu.memory_space<hbm>>) target(%dma_start3A_104 : memref<3328xi32, #tpu.memory_space<vmem>>) target_semaphore(%arg10 : memref<!tpu.dma_semaphore, #tpu.memory_space<semaphore_mem>>)
      } else {
      }
      %mul3A_82 = arith.constant 6400 : i32
      %mul3A_83 = arith.muli %add3A_67, %mul3A_82 : i32
      %add3A_84 = arith.addi %mul3A_10, %mul3A_83 : i32
      %dma_wait3A_85 = arith.constant 0 : i32
      %dma_wait3A_86 = tpu.memref_slice %arg7[%dma_wait3A_85] : memref<6400xi32, #tpu.memory_space<vmem>> -> memref<6400xi32, #tpu.memory_space<vmem>>
      %dma_wait3A_87 = tpu.memref_slice %arg3[%add3A_84] : memref<12800000xi32, #tpu.memory_space<hbm>> -> memref<6400xi32, #tpu.memory_space<hbm>>
      %dma_wait3A_88 = arith.constant 0 : i32
      %dma_wait3A_89 = tpu.memref_slice %arg7[%dma_wait3A_88] : memref<6400xi32, #tpu.memory_space<vmem>> -> memref<6400xi32, #tpu.memory_space<vmem>>
      %dma_wait3A_90 = tpu.memref_slice %arg3[%add3A_84] : memref<12800000xi32, #tpu.memory_space<hbm>> -> memref<6400xi32, #tpu.memory_space<hbm>>
      tpu.wait_dma2 semaphore(%arg10 : memref<!tpu.dma_semaphore, #tpu.memory_space<semaphore_mem>>) src(%dma_wait3A_90 : memref<6400xi32, #tpu.memory_space<hbm>>) dst(%dma_wait3A_89 : memref<6400xi32, #tpu.memory_space<vmem>>)
      %parallel_loop3A_91 = arith.constant 0 : i32
      %parallel_loop3A_92 = arith.constant 25 : i32
      %parallel_loop3A_93 = arith.constant 1 : i32
      %parallel_loop3A_94 = scf.for %parallel_loop3A_95 = %parallel_loop3A_91 to %parallel_loop3A_92 step %parallel_loop3A_93 iter_args(%parallel_loop3A_96 = %parallel_loop3A_63) -> (vector<16xf32>)  : i32 {
        %parallel_loop3A_97 = arith.constant 256 : i32
        %parallel_loop3A_98 = arith.muli %parallel_loop3A_95, %parallel_loop3A_97 : i32
        %parallel_loop3A_99 = arith.constant 0 : i32
        %parallel_loop3A_100 = arith.addi %parallel_loop3A_98, %parallel_loop3A_99 : i32
        %parallel_loop3A_101 = arith.index_cast %parallel_loop3A_100 : i32 to index
        %parallel_loop3A_102 = tpu.vector_load %arg7[%parallel_loop3A_101] {strides = array<i32>} : memref<6400xi32, #tpu.memory_space<vmem>>, vector<16xi32>,
        %parallel_loop3A_103 = arith.constant 128 : i32
        %parallel_loop3A_104 = arith.addi %parallel_loop3A_98, %parallel_loop3A_103 : i32
        %parallel_loop3A_105 = arith.constant 0 : i32
        %parallel_loop3A_106 = arith.addi %parallel_loop3A_104, %parallel_loop3A_105 : i32
        %parallel_loop3A_107 = arith.index_cast %parallel_loop3A_106 : i32 to index
        %parallel_loop3A_108 = tpu.vector_load %arg7[%parallel_loop3A_107] {strides = array<i32>} : memref<6400xi32, #tpu.memory_space<vmem>>, vector<16xi32>,
        %parallel_loop3A_109 = tpu.vector_load_idx %arg5[%parallel_loop3A_102] : memref<100000xi32, #tpu.memory_space<vmem>>[vector<16xi32>], vector<16xi32>,
        %parallel_loop3A_110 = tpu.vector_load_idx %arg5[%parallel_loop3A_108] : memref<100000xi32, #tpu.memory_space<vmem>>[vector<16xi32>], vector<16xi32>,
        %parallel_loop3A_111 = vector.bitcast %parallel_loop3A_109 : vector<16xi32> to vector<32xbf16>
        %parallel_loop3A_112 = vector.bitcast %parallel_loop3A_110 : vector<16xi32> to vector<32xbf16>
        %parallel_loop3A_113 = arith.subf %parallel_loop3A_111, %parallel_loop3A_112 : vector<32xbf16>
        %parallel_loop3A_114 = tpu.unpack_subelements %parallel_loop3A_113, 0 {pack_format = #tpu.pack_format<interleaved>} : vector<32xbf16> -> vector<16xf32>
        %parallel_loop3A_115 = tpu.unpack_subelements %parallel_loop3A_113, 1 {pack_format = #tpu.pack_format<interleaved>} : vector<32xbf16> -> vector<16xf32>
        %parallel_loop3A_116 = arith.mulf %parallel_loop3A_114, %parallel_loop3A_114 : vector<16xf32>
        %parallel_loop3A_117 = arith.addf %parallel_loop3A_96, %parallel_loop3A_116 : vector<16xf32>
        %parallel_loop3A_118 = arith.mulf %parallel_loop3A_115, %parallel_loop3A_115 : vector<16xf32>
        %parallel_loop3A_119 = arith.addf %parallel_loop3A_117, %parallel_loop3A_118 : vector<16xf32>
        %parallel_loop3A_120 = arith.constant 16 : i32
        %parallel_loop3A_121 = arith.addi %parallel_loop3A_98, %parallel_loop3A_120 : i32
        %parallel_loop3A_122 = arith.index_cast %parallel_loop3A_121 : i32 to index
        %parallel_loop3A_123 = tpu.vector_load %arg7[%parallel_loop3A_122] {strides = array<i32>} : memref<6400xi32, #tpu.memory_space<vmem>>, vector<16xi32>,
        %parallel_loop3A_124 = arith.constant 128 : i32
        %parallel_loop3A_125 = arith.addi %parallel_loop3A_98, %parallel_loop3A_124 : i32
        %parallel_loop3A_126 = arith.constant 16 : i32
        %parallel_loop3A_127 = arith.addi %parallel_loop3A_125, %parallel_loop3A_126 : i32
        %parallel_loop3A_128 = arith.index_cast %parallel_loop3A_127 : i32 to index
        %parallel_loop3A_129 = tpu.vector_load %arg7[%parallel_loop3A_128] {strides = array<i32>} : memref<6400xi32, #tpu.memory_space<vmem>>, vector<16xi32>,
        %parallel_loop3A_130 = tpu.vector_load_idx %arg5[%parallel_loop3A_123] : memref<100000xi32, #tpu.memory_space<vmem>>[vector<16xi32>], vector<16xi32>,
        %parallel_loop3A_131 = tpu.vector_load_idx %arg5[%parallel_loop3A_129] : memref<100000xi32, #tpu.memory_space<vmem>>[vector<16xi32>], vector<16xi32>,
        %parallel_loop3A_132 = vector.bitcast %parallel_loop3A_130 : vector<16xi32> to vector<32xbf16>
        %parallel_loop3A_133 = vector.bitcast %parallel_loop3A_131 : vector<16xi32> to vector<32xbf16>
        %parallel_loop3A_134 = arith.subf %parallel_loop3A_132, %parallel_loop3A_133 : vector<32xbf16>
        %parallel_loop3A_135 = tpu.unpack_subelements %parallel_loop3A_134, 0 {pack_format = #tpu.pack_format<interleaved>} : vector<32xbf16> -> vector<16xf32>
        %parallel_loop3A_136 = tpu.unpack_subelements %parallel_loop3A_134, 1 {pack_format = #tpu.pack_format<interleaved>} : vector<32xbf16> -> vector<16xf32>
        %parallel_loop3A_137 = arith.mulf %parallel_loop3A_135, %parallel_loop3A_135 : vector<16xf32>
        %parallel_loop3A_138 = arith.addf %parallel_loop3A_119, %parallel_loop3A_137 : vector<16xf32>
        %parallel_loop3A_139 = arith.mulf %parallel_loop3A_136, %parallel_loop3A_136 : vector<16xf32>
        %parallel_loop3A_140 = arith.addf %parallel_loop3A_138, %parallel_loop3A_139 : vector<16xf32>
        %parallel_loop3A_141 = arith.constant 32 : i32
        %parallel_loop3A_142 = arith.addi %parallel_loop3A_98, %parallel_loop3A_141 : i32
        %parallel_loop3A_143 = arith.index_cast %parallel_loop3A_142 : i32 to index
        %parallel_loop3A_144 = tpu.vector_load %arg7[%parallel_loop3A_143] {strides = array<i32>} : memref<6400xi32, #tpu.memory_space<vmem>>, vector<16xi32>,
        %parallel_loop3A_145 = arith.constant 128 : i32
        %parallel_loop3A_146 = arith.addi %parallel_loop3A_98, %parallel_loop3A_145 : i32
        %parallel_loop3A_147 = arith.constant 32 : i32
        %parallel_loop3A_148 = arith.addi %parallel_loop3A_146, %parallel_loop3A_147 : i32
        %parallel_loop3A_149 = arith.index_cast %parallel_loop3A_148 : i32 to index
        %parallel_loop3A_150 = tpu.vector_load %arg7[%parallel_loop3A_149] {strides = array<i32>} : memref<6400xi32, #tpu.memory_space<vmem>>, vector<16xi32>,
        %parallel_loop3A_151 = tpu.vector_load_idx %arg5[%parallel_loop3A_144] : memref<100000xi32, #tpu.memory_space<vmem>>[vector<16xi32>], vector<16xi32>,
        %parallel_loop3A_152 = tpu.vector_load_idx %arg5[%parallel_loop3A_150] : memref<100000xi32, #tpu.memory_space<vmem>>[vector<16xi32>], vector<16xi32>,
        %parallel_loop3A_153 = vector.bitcast %parallel_loop3A_151 : vector<16xi32> to vector<32xbf16>
        %parallel_loop3A_154 = vector.bitcast %parallel_loop3A_152 : vector<16xi32> to vector<32xbf16>
        %parallel_loop3A_155 = arith.subf %parallel_loop3A_153, %parallel_loop3A_154 : vector<32xbf16>
        %parallel_loop3A_156 = tpu.unpack_subelements %parallel_loop3A_155, 0 {pack_format = #tpu.pack_format<interleaved>} : vector<32xbf16> -> vector<16xf32>
        %parallel_loop3A_157 = tpu.unpack_subelements %parallel_loop3A_155, 1 {pack_format = #tpu.pack_format<interleaved>} : vector<32xbf16> -> vector<16xf32>
        %parallel_loop3A_158 = arith.mulf %parallel_loop3A_156, %parallel_loop3A_156 : vector<16xf32>
        %parallel_loop3A_159 = arith.addf %parallel_loop3A_140, %parallel_loop3A_158 : vector<16xf32>
        %parallel_loop3A_160 = arith.mulf %parallel_loop3A_157, %parallel_loop3A_157 : vector<16xf32>
        %parallel_loop3A_161 = arith.addf %parallel_loop3A_159, %parallel_loop3A_160 : vector<16xf32>
        %parallel_loop3A_162 = arith.constant 48 : i32
        %parallel_loop3A_163 = arith.addi %parallel_loop3A_98, %parallel_loop3A_162 : i32
        %parallel_loop3A_164 = arith.index_cast %parallel_loop3A_163 : i32 to index
        %parallel_loop3A_165 = tpu.vector_load %arg7[%parallel_loop3A_164] {strides = array<i32>} : memref<6400xi32, #tpu.memory_space<vmem>>, vector<16xi32>,
        %parallel_loop3A_166 = arith.constant 128 : i32
        %parallel_loop3A_167 = arith.addi %parallel_loop3A_98, %parallel_loop3A_166 : i32
        %parallel_loop3A_168 = arith.constant 48 : i32
        %parallel_loop3A_169 = arith.addi %parallel_loop3A_167, %parallel_loop3A_168 : i32
        %parallel_loop3A_170 = arith.index_cast %parallel_loop3A_169 : i32 to index
        %parallel_loop3A_171 = tpu.vector_load %arg7[%parallel_loop3A_170] {strides = array<i32>} : memref<6400xi32, #tpu.memory_space<vmem>>, vector<16xi32>,
        %parallel_loop3A_172 = tpu.vector_load_idx %arg5[%parallel_loop3A_165] : memref<100000xi32, #tpu.memory_space<vmem>>[vector<16xi32>], vector<16xi32>,
        %parallel_loop3A_173 = tpu.vector_load_idx %arg5[%parallel_loop3A_171] : memref<100000xi32, #tpu.memory_space<vmem>>[vector<16xi32>], vector<16xi32>,
        %parallel_loop3A_174 = vector.bitcast %parallel_loop3A_172 : vector<16xi32> to vector<32xbf16>
        %parallel_loop3A_175 = vector.bitcast %parallel_loop3A_173 : vector<16xi32> to vector<32xbf16>
        %parallel_loop3A_176 = arith.subf %parallel_loop3A_174, %parallel_loop3A_175 : vector<32xbf16>
        %parallel_loop3A_177 = tpu.unpack_subelements %parallel_loop3A_176, 0 {pack_format = #tpu.pack_format<interleaved>} : vector<32xbf16> -> vector<16xf32>
        %parallel_loop3A_178 = tpu.unpack_subelements %parallel_loop3A_176, 1 {pack_format = #tpu.pack_format<interleaved>} : vector<32xbf16> -> vector<16xf32>
        %parallel_loop3A_179 = arith.mulf %parallel_loop3A_177, %parallel_loop3A_177 : vector<16xf32>
        %parallel_loop3A_180 = arith.addf %parallel_loop3A_161, %parallel_loop3A_179 : vector<16xf32>
        %parallel_loop3A_181 = arith.mulf %parallel_loop3A_178, %parallel_loop3A_178 : vector<16xf32>
        %parallel_loop3A_182 = arith.addf %parallel_loop3A_180, %parallel_loop3A_181 : vector<16xf32>
        %parallel_loop3A_183 = arith.constant 64 : i32
        %parallel_loop3A_184 = arith.addi %parallel_loop3A_98, %parallel_loop3A_183 : i32
        %parallel_loop3A_185 = arith.index_cast %parallel_loop3A_184 : i32 to index
        %parallel_loop3A_186 = tpu.vector_load %arg7[%parallel_loop3A_185] {strides = array<i32>} : memref<6400xi32, #tpu.memory_space<vmem>>, vector<16xi32>,
        %parallel_loop3A_187 = arith.constant 128 : i32
        %parallel_loop3A_188 = arith.addi %parallel_loop3A_98, %parallel_loop3A_187 : i32
        %parallel_loop3A_189 = arith.constant 64 : i32
        %parallel_loop3A_190 = arith.addi %parallel_loop3A_188, %parallel_loop3A_189 : i32
        %parallel_loop3A_191 = arith.index_cast %parallel_loop3A_190 : i32 to index
        %parallel_loop3A_192 = tpu.vector_load %arg7[%parallel_loop3A_191] {strides = array<i32>} : memref<6400xi32, #tpu.memory_space<vmem>>, vector<16xi32>,
        %parallel_loop3A_193 = tpu.vector_load_idx %arg5[%parallel_loop3A_186] : memref<100000xi32, #tpu.memory_space<vmem>>[vector<16xi32>], vector<16xi32>,
        %parallel_loop3A_194 = tpu.vector_load_idx %arg5[%parallel_loop3A_192] : memref<100000xi32, #tpu.memory_space<vmem>>[vector<16xi32>], vector<16xi32>,
        %parallel_loop3A_195 = vector.bitcast %parallel_loop3A_193 : vector<16xi32> to vector<32xbf16>
        %parallel_loop3A_196 = vector.bitcast %parallel_loop3A_194 : vector<16xi32> to vector<32xbf16>
        %parallel_loop3A_197 = arith.subf %parallel_loop3A_195, %parallel_loop3A_196 : vector<32xbf16>
        %parallel_loop3A_198 = tpu.unpack_subelements %parallel_loop3A_197, 0 {pack_format = #tpu.pack_format<interleaved>} : vector<32xbf16> -> vector<16xf32>
        %parallel_loop3A_199 = tpu.unpack_subelements %parallel_loop3A_197, 1 {pack_format = #tpu.pack_format<interleaved>} : vector<32xbf16> -> vector<16xf32>
        %parallel_loop3A_200 = arith.mulf %parallel_loop3A_198, %parallel_loop3A_198 : vector<16xf32>
        %parallel_loop3A_201 = arith.addf %parallel_loop3A_182, %parallel_loop3A_200 : vector<16xf32>
        %parallel_loop3A_202 = arith.mulf %parallel_loop3A_199, %parallel_loop3A_199 : vector<16xf32>
        %parallel_loop3A_203 = arith.addf %parallel_loop3A_201, %parallel_loop3A_202 : vector<16xf32>
        %parallel_loop3A_204 = arith.constant 80 : i32
        %parallel_loop3A_205 = arith.addi %parallel_loop3A_98, %parallel_loop3A_204 : i32
        %parallel_loop3A_206 = arith.index_cast %parallel_loop3A_205 : i32 to index
        %parallel_loop3A_207 = tpu.vector_load %arg7[%parallel_loop3A_206] {strides = array<i32>} : memref<6400xi32, #tpu.memory_space<vmem>>, vector<16xi32>,
        %parallel_loop3A_208 = arith.constant 128 : i32
        %parallel_loop3A_209 = arith.addi %parallel_loop3A_98, %parallel_loop3A_208 : i32
        %parallel_loop3A_210 = arith.constant 80 : i32
        %parallel_loop3A_211 = arith.addi %parallel_loop3A_209, %parallel_loop3A_210 : i32
        %parallel_loop3A_212 = arith.index_cast %parallel_loop3A_211 : i32 to index
        %parallel_loop3A_213 = tpu.vector_load %arg7[%parallel_loop3A_212] {strides = array<i32>} : memref<6400xi32, #tpu.memory_space<vmem>>, vector<16xi32>,
        %parallel_loop3A_214 = tpu.vector_load_idx %arg5[%parallel_loop3A_207] : memref<100000xi32, #tpu.memory_space<vmem>>[vector<16xi32>], vector<16xi32>,
        %parallel_loop3A_215 = tpu.vector_load_idx %arg5[%parallel_loop3A_213] : memref<100000xi32, #tpu.memory_space<vmem>>[vector<16xi32>], vector<16xi32>,
        %parallel_loop3A_216 = vector.bitcast %parallel_loop3A_214 : vector<16xi32> to vector<32xbf16>
        %parallel_loop3A_217 = vector.bitcast %parallel_loop3A_215 : vector<16xi32> to vector<32xbf16>
        %parallel_loop3A_218 = arith.subf %parallel_loop3A_216, %parallel_loop3A_217 : vector<32xbf16>
        %parallel_loop3A_219 = tpu.unpack_subelements %parallel_loop3A_218, 0 {pack_format = #tpu.pack_format<interleaved>} : vector<32xbf16> -> vector<16xf32>
        %parallel_loop3A_220 = tpu.unpack_subelements %parallel_loop3A_218, 1 {pack_format = #tpu.pack_format<interleaved>} : vector<32xbf16> -> vector<16xf32>
        %parallel_loop3A_221 = arith.mulf %parallel_loop3A_219, %parallel_loop3A_219 : vector<16xf32>
        %parallel_loop3A_222 = arith.addf %parallel_loop3A_203, %parallel_loop3A_221 : vector<16xf32>
        %parallel_loop3A_223 = arith.mulf %parallel_loop3A_220, %parallel_loop3A_220 : vector<16xf32>
        %parallel_loop3A_224 = arith.addf %parallel_loop3A_222, %parallel_loop3A_223 : vector<16xf32>
        %parallel_loop3A_225 = arith.constant 96 : i32
        %parallel_loop3A_226 = arith.addi %parallel_loop3A_98, %parallel_loop3A_225 : i32
        %parallel_loop3A_227 = arith.index_cast %parallel_loop3A_226 : i32 to index
        %parallel_loop3A_228 = tpu.vector_load %arg7[%parallel_loop3A_227] {strides = array<i32>} : memref<6400xi32, #tpu.memory_space<vmem>>, vector<16xi32>,
        %parallel_loop3A_229 = arith.constant 128 : i32
        %parallel_loop3A_230 = arith.addi %parallel_loop3A_98, %parallel_loop3A_229 : i32
        %parallel_loop3A_231 = arith.constant 96 : i32
        %parallel_loop3A_232 = arith.addi %parallel_loop3A_230, %parallel_loop3A_231 : i32
        %parallel_loop3A_233 = arith.index_cast %parallel_loop3A_232 : i32 to index
        %parallel_loop3A_234 = tpu.vector_load %arg7[%parallel_loop3A_233] {strides = array<i32>} : memref<6400xi32, #tpu.memory_space<vmem>>, vector<16xi32>,
        %parallel_loop3A_235 = tpu.vector_load_idx %arg5[%parallel_loop3A_228] : memref<100000xi32, #tpu.memory_space<vmem>>[vector<16xi32>], vector<16xi32>,
        %parallel_loop3A_236 = tpu.vector_load_idx %arg5[%parallel_loop3A_234] : memref<100000xi32, #tpu.memory_space<vmem>>[vector<16xi32>], vector<16xi32>,
        %parallel_loop3A_237 = vector.bitcast %parallel_loop3A_235 : vector<16xi32> to vector<32xbf16>
        %parallel_loop3A_238 = vector.bitcast %parallel_loop3A_236 : vector<16xi32> to vector<32xbf16>
        %parallel_loop3A_239 = arith.subf %parallel_loop3A_237, %parallel_loop3A_238 : vector<32xbf16>
        %parallel_loop3A_240 = tpu.unpack_subelements %parallel_loop3A_239, 0 {pack_format = #tpu.pack_format<interleaved>} : vector<32xbf16> -> vector<16xf32>
        %parallel_loop3A_241 = tpu.unpack_subelements %parallel_loop3A_239, 1 {pack_format = #tpu.pack_format<interleaved>} : vector<32xbf16> -> vector<16xf32>
        %parallel_loop3A_242 = arith.mulf %parallel_loop3A_240, %parallel_loop3A_240 : vector<16xf32>
        %parallel_loop3A_243 = arith.addf %parallel_loop3A_224, %parallel_loop3A_242 : vector<16xf32>
        %parallel_loop3A_244 = arith.mulf %parallel_loop3A_241, %parallel_loop3A_241 : vector<16xf32>
        %parallel_loop3A_245 = arith.addf %parallel_loop3A_243, %parallel_loop3A_244 : vector<16xf32>
        %parallel_loop3A_246 = arith.constant 112 : i32
        %parallel_loop3A_247 = arith.addi %parallel_loop3A_98, %parallel_loop3A_246 : i32
        %parallel_loop3A_248 = arith.index_cast %parallel_loop3A_247 : i32 to index
        %parallel_loop3A_249 = tpu.vector_load %arg7[%parallel_loop3A_248] {strides = array<i32>} : memref<6400xi32, #tpu.memory_space<vmem>>, vector<16xi32>,
        %parallel_loop3A_250 = arith.constant 128 : i32
        %parallel_loop3A_251 = arith.addi %parallel_loop3A_98, %parallel_loop3A_250 : i32
        %parallel_loop3A_252 = arith.constant 112 : i32
        %parallel_loop3A_253 = arith.addi %parallel_loop3A_251, %parallel_loop3A_252 : i32
        %parallel_loop3A_254 = arith.index_cast %parallel_loop3A_253 : i32 to index
        %parallel_loop3A_255 = tpu.vector_load %arg7[%parallel_loop3A_254] {strides = array<i32>} : memref<6400xi32, #tpu.memory_space<vmem>>, vector<16xi32>,
        %parallel_loop3A_256 = tpu.vector_load_idx %arg5[%parallel_loop3A_249] : memref<100000xi32, #tpu.memory_space<vmem>>[vector<16xi32>], vector<16xi32>,
        %parallel_loop3A_257 = tpu.vector_load_idx %arg5[%parallel_loop3A_255] : memref<100000xi32, #tpu.memory_space<vmem>>[vector<16xi32>], vector<16xi32>,
        %parallel_loop3A_258 = vector.bitcast %parallel_loop3A_256 : vector<16xi32> to vector<32xbf16>
        %parallel_loop3A_259 = vector.bitcast %parallel_loop3A_257 : vector<16xi32> to vector<32xbf16>
        %parallel_loop3A_260 = arith.subf %parallel_loop3A_258, %parallel_loop3A_259 : vector<32xbf16>
        %parallel_loop3A_261 = tpu.unpack_subelements %parallel_loop3A_260, 0 {pack_format = #tpu.pack_format<interleaved>} : vector<32xbf16> -> vector<16xf32>
        %parallel_loop3A_262 = tpu.unpack_subelements %parallel_loop3A_260, 1 {pack_format = #tpu.pack_format<interleaved>} : vector<32xbf16> -> vector<16xf32>
        %parallel_loop3A_263 = arith.mulf %parallel_loop3A_261, %parallel_loop3A_261 : vector<16xf32>
        %parallel_loop3A_264 = arith.addf %parallel_loop3A_245, %parallel_loop3A_263 : vector<16xf32>
        %parallel_loop3A_265 = arith.mulf %parallel_loop3A_262, %parallel_loop3A_262 : vector<16xf32>
        %parallel_loop3A_266 = arith.addf %parallel_loop3A_264, %parallel_loop3A_265 : vector<16xf32>
        scf.yield %parallel_loop3A_266 : vector<16xf32>
      } {sc.loop_unroll_factor = 4 : i64, sc.parallel_access}
      scf.yield %parallel_loop3A_94 : vector<16xf32>
    }
    %scan3A_21 = arith.constant 31 : i32
    %add3A_22 = arith.addi %add3A_8, %add3A_4 : i32
    %sub3A = arith.constant 13 : i32
    %sub3A_23 = arith.subi %add3A_22, %sub3A : i32
    %mul3A_24 = arith.constant 256 : i32
    %mul3A_25 = arith.muli %sub3A_23, %mul3A_24 : i32
    %dma_wait3A = arith.constant 0 : i32
    %dma_wait3A_26 = tpu.memref_slice %arg6[%dma_wait3A] : memref<6400xi32, #tpu.memory_space<vmem>> -> memref<3328xi32, #tpu.memory_space<vmem>>
    %dma_wait3A_27 = tpu.memref_slice %arg3[%mul3A_25] : memref<12800000xi32, #tpu.memory_space<hbm>> -> memref<3328xi32, #tpu.memory_space<hbm>>
    %dma_wait3A_28 = arith.constant 0 : i32
    %dma_wait3A_29 = tpu.memref_slice %arg6[%dma_wait3A_28] : memref<6400xi32, #tpu.memory_space<vmem>> -> memref<3328xi32, #tpu.memory_space<vmem>>
    %dma_wait3A_30 = tpu.memref_slice %arg3[%mul3A_25] : memref<12800000xi32, #tpu.memory_space<hbm>> -> memref<3328xi32, #tpu.memory_space<hbm>>
    tpu.wait_dma2 semaphore(%arg10 : memref<!tpu.dma_semaphore, #tpu.memory_space<semaphore_mem>>) src(%dma_wait3A_30 : memref<3328xi32, #tpu.memory_space<hbm>>) dst(%dma_wait3A_29 : memref<3328xi32, #tpu.memory_space<vmem>>)
    %sub3A_31 = arith.constant 1563 : i32
    %sub3A_32 = arith.subi %sub3A_31, %add3A_4 : i32
    %parallel_loop3A = arith.constant 13 : i32
    %parallel_loop3A_33 = arith.constant 1 : i32
    %parallel_loop3A_34 = scf.for %parallel_loop3A_36 = %sub3A_32 to %parallel_loop3A step %parallel_loop3A_33 iter_args(%parallel_loop3A_37 = %scan3A_20) -> (vector<16xf32>)  : i32 {
      %parallel_loop3A_38 = arith.constant 256 : i32
      %parallel_loop3A_39 = arith.muli %parallel_loop3A_36, %parallel_loop3A_38 : i32
      %parallel_loop3A_40 = arith.constant 0 : i32
      %parallel_loop3A_41 = arith.addi %parallel_loop3A_39, %parallel_loop3A_40 : i32
      %parallel_loop3A_42 = arith.index_cast %parallel_loop3A_41 : i32 to index
      %parallel_loop3A_43 = tpu.vector_load %arg6[%parallel_loop3A_42] {strides = array<i32>} : memref<6400xi32, #tpu.memory_space<vmem>>, vector<16xi32>,
      %parallel_loop3A_44 = arith.constant 128 : i32
      %parallel_loop3A_45 = arith.addi %parallel_loop3A_39, %parallel_loop3A_44 : i32
      %parallel_loop3A_46 = arith.constant 0 : i32
      %parallel_loop3A_47 = arith.addi %parallel_loop3A_45, %parallel_loop3A_46 : i32
      %parallel_loop3A_48 = arith.index_cast %parallel_loop3A_47 : i32 to index
      %parallel_loop3A_49 = tpu.vector_load %arg6[%parallel_loop3A_48] {strides = array<i32>} : memref<6400xi32, #tpu.memory_space<vmem>>, vector<16xi32>,
      %parallel_loop3A_50 = tpu.vector_load_idx %arg5[%parallel_loop3A_43] : memref<100000xi32, #tpu.memory_space<vmem>>[vector<16xi32>], vector<16xi32>,
      %parallel_loop3A_51 = tpu.vector_load_idx %arg5[%parallel_loop3A_49] : memref<100000xi32, #tpu.memory_space<vmem>>[vector<16xi32>], vector<16xi32>,
      %parallel_loop3A_52 = vector.bitcast %parallel_loop3A_50 : vector<16xi32> to vector<32xbf16>
      %parallel_loop3A_53 = vector.bitcast %parallel_loop3A_51 : vector<16xi32> to vector<32xbf16>
      %parallel_loop3A_54 = arith.subf %parallel_loop3A_52, %parallel_loop3A_53 : vector<32xbf16>
      %parallel_loop3A_55 = tpu.unpack_subelements %parallel_loop3A_54, 0 {pack_format = #tpu.pack_format<interleaved>} : vector<32xbf16> -> vector<16xf32>
      %parallel_loop3A_56 = tpu.unpack_subelements %parallel_loop3A_54, 1 {pack_format = #tpu.pack_format<interleaved>} : vector<32xbf16> -> vector<16xf32>
      %parallel_loop3A_57 = arith.mulf %parallel_loop3A_55, %parallel_loop3A_55 : vector<16xf32>
      %parallel_loop3A_58 = arith.addf %parallel_loop3A_37, %parallel_loop3A_57 : vector<16xf32>
      %parallel_loop3A_59 = arith.mulf %parallel_loop3A_56, %parallel_loop3A_56 : vector<16xf32>
      %parallel_loop3A_60 = arith.addf %parallel_loop3A_58, %parallel_loop3A_59 : vector<16xf32>
      %parallel_loop3A_61 = arith.constant 16 : i32
      %parallel_loop3A_62 = arith.addi %parallel_loop3A_39, %parallel_loop3A_61 : i32
      %parallel_loop3A_63 = arith.index_cast %parallel_loop3A_62 : i32 to index
      %parallel_loop3A_64 = tpu.vector_load %arg6[%parallel_loop3A_63] {strides = array<i32>} : memref<6400xi32, #tpu.memory_space<vmem>>, vector<16xi32>,
      %parallel_loop3A_65 = arith.constant 128 : i32
      %parallel_loop3A_66 = arith.addi %parallel_loop3A_39, %parallel_loop3A_65 : i32
      %parallel_loop3A_67 = arith.constant 16 : i32
      %parallel_loop3A_68 = arith.addi %parallel_loop3A_66, %parallel_loop3A_67 : i32
      %parallel_loop3A_69 = arith.index_cast %parallel_loop3A_68 : i32 to index
      %parallel_loop3A_70 = tpu.vector_load %arg6[%parallel_loop3A_69] {strides = array<i32>} : memref<6400xi32, #tpu.memory_space<vmem>>, vector<16xi32>,
      %parallel_loop3A_71 = tpu.vector_load_idx %arg5[%parallel_loop3A_64] : memref<100000xi32, #tpu.memory_space<vmem>>[vector<16xi32>], vector<16xi32>,
      %parallel_loop3A_72 = tpu.vector_load_idx %arg5[%parallel_loop3A_70] : memref<100000xi32, #tpu.memory_space<vmem>>[vector<16xi32>], vector<16xi32>,
      %parallel_loop3A_73 = vector.bitcast %parallel_loop3A_71 : vector<16xi32> to vector<32xbf16>
      %parallel_loop3A_74 = vector.bitcast %parallel_loop3A_72 : vector<16xi32> to vector<32xbf16>
      %parallel_loop3A_75 = arith.subf %parallel_loop3A_73, %parallel_loop3A_74 : vector<32xbf16>
      %parallel_loop3A_76 = tpu.unpack_subelements %parallel_loop3A_75, 0 {pack_format = #tpu.pack_format<interleaved>} : vector<32xbf16> -> vector<16xf32>
      %parallel_loop3A_77 = tpu.unpack_subelements %parallel_loop3A_75, 1 {pack_format = #tpu.pack_format<interleaved>} : vector<32xbf16> -> vector<16xf32>
      %parallel_loop3A_78 = arith.mulf %parallel_loop3A_76, %parallel_loop3A_76 : vector<16xf32>
      %parallel_loop3A_79 = arith.addf %parallel_loop3A_60, %parallel_loop3A_78 : vector<16xf32>
      %parallel_loop3A_80 = arith.mulf %parallel_loop3A_77, %parallel_loop3A_77 : vector<16xf32>
      %parallel_loop3A_81 = arith.addf %parallel_loop3A_79, %parallel_loop3A_80 : vector<16xf32>
      %parallel_loop3A_82 = arith.constant 32 : i32
      %parallel_loop3A_83 = arith.addi %parallel_loop3A_39, %parallel_loop3A_82 : i32
      %parallel_loop3A_84 = arith.index_cast %parallel_loop3A_83 : i32 to index
      %parallel_loop3A_85 = tpu.vector_load %arg6[%parallel_loop3A_84] {strides = array<i32>} : memref<6400xi32, #tpu.memory_space<vmem>>, vector<16xi32>,
      %parallel_loop3A_86 = arith.constant 128 : i32
      %parallel_loop3A_87 = arith.addi %parallel_loop3A_39, %parallel_loop3A_86 : i32
      %parallel_loop3A_88 = arith.constant 32 : i32
      %parallel_loop3A_89 = arith.addi %parallel_loop3A_87, %parallel_loop3A_88 : i32
      %parallel_loop3A_90 = arith.index_cast %parallel_loop3A_89 : i32 to index
      %parallel_loop3A_91 = tpu.vector_load %arg6[%parallel_loop3A_90] {strides = array<i32>} : memref<6400xi32, #tpu.memory_space<vmem>>, vector<16xi32>,
      %parallel_loop3A_92 = tpu.vector_load_idx %arg5[%parallel_loop3A_85] : memref<100000xi32, #tpu.memory_space<vmem>>[vector<16xi32>], vector<16xi32>,
      %parallel_loop3A_93 = tpu.vector_load_idx %arg5[%parallel_loop3A_91] : memref<100000xi32, #tpu.memory_space<vmem>>[vector<16xi32>], vector<16xi32>,
      %parallel_loop3A_94 = vector.bitcast %parallel_loop3A_92 : vector<16xi32> to vector<32xbf16>
      %parallel_loop3A_95 = vector.bitcast %parallel_loop3A_93 : vector<16xi32> to vector<32xbf16>
      %parallel_loop3A_96 = arith.subf %parallel_loop3A_94, %parallel_loop3A_95 : vector<32xbf16>
      %parallel_loop3A_97 = tpu.unpack_subelements %parallel_loop3A_96, 0 {pack_format = #tpu.pack_format<interleaved>} : vector<32xbf16> -> vector<16xf32>
      %parallel_loop3A_98 = tpu.unpack_subelements %parallel_loop3A_96, 1 {pack_format = #tpu.pack_format<interleaved>} : vector<32xbf16> -> vector<16xf32>
      %parallel_loop3A_99 = arith.mulf %parallel_loop3A_97, %parallel_loop3A_97 : vector<16xf32>
      %parallel_loop3A_100 = arith.addf %parallel_loop3A_81, %parallel_loop3A_99 : vector<16xf32>
      %parallel_loop3A_101 = arith.mulf %parallel_loop3A_98, %parallel_loop3A_98 : vector<16xf32>
      %parallel_loop3A_102 = arith.addf %parallel_loop3A_100, %parallel_loop3A_101 : vector<16xf32>
      %parallel_loop3A_103 = arith.constant 48 : i32
      %parallel_loop3A_104 = arith.addi %parallel_loop3A_39, %parallel_loop3A_103 : i32
      %parallel_loop3A_105 = arith.index_cast %parallel_loop3A_104 : i32 to index
      %parallel_loop3A_106 = tpu.vector_load %arg6[%parallel_loop3A_105] {strides = array<i32>} : memref<6400xi32, #tpu.memory_space<vmem>>, vector<16xi32>,
      %parallel_loop3A_107 = arith.constant 128 : i32
      %parallel_loop3A_108 = arith.addi %parallel_loop3A_39, %parallel_loop3A_107 : i32
      %parallel_loop3A_109 = arith.constant 48 : i32
      %parallel_loop3A_110 = arith.addi %parallel_loop3A_108, %parallel_loop3A_109 : i32
      %parallel_loop3A_111 = arith.index_cast %parallel_loop3A_110 : i32 to index
      %parallel_loop3A_112 = tpu.vector_load %arg6[%parallel_loop3A_111] {strides = array<i32>} : memref<6400xi32, #tpu.memory_space<vmem>>, vector<16xi32>,
      %parallel_loop3A_113 = tpu.vector_load_idx %arg5[%parallel_loop3A_106] : memref<100000xi32, #tpu.memory_space<vmem>>[vector<16xi32>], vector<16xi32>,
      %parallel_loop3A_114 = tpu.vector_load_idx %arg5[%parallel_loop3A_112] : memref<100000xi32, #tpu.memory_space<vmem>>[vector<16xi32>], vector<16xi32>,
      %parallel_loop3A_115 = vector.bitcast %parallel_loop3A_113 : vector<16xi32> to vector<32xbf16>
      %parallel_loop3A_116 = vector.bitcast %parallel_loop3A_114 : vector<16xi32> to vector<32xbf16>
      %parallel_loop3A_117 = arith.subf %parallel_loop3A_115, %parallel_loop3A_116 : vector<32xbf16>
      %parallel_loop3A_118 = tpu.unpack_subelements %parallel_loop3A_117, 0 {pack_format = #tpu.pack_format<interleaved>} : vector<32xbf16> -> vector<16xf32>
      %parallel_loop3A_119 = tpu.unpack_subelements %parallel_loop3A_117, 1 {pack_format = #tpu.pack_format<interleaved>} : vector<32xbf16> -> vector<16xf32>
      %parallel_loop3A_120 = arith.mulf %parallel_loop3A_118, %parallel_loop3A_118 : vector<16xf32>
      %parallel_loop3A_121 = arith.addf %parallel_loop3A_102, %parallel_loop3A_120 : vector<16xf32>
      %parallel_loop3A_122 = arith.mulf %parallel_loop3A_119, %parallel_loop3A_119 : vector<16xf32>
      %parallel_loop3A_123 = arith.addf %parallel_loop3A_121, %parallel_loop3A_122 : vector<16xf32>
      %parallel_loop3A_124 = arith.constant 64 : i32
      %parallel_loop3A_125 = arith.addi %parallel_loop3A_39, %parallel_loop3A_124 : i32
      %parallel_loop3A_126 = arith.index_cast %parallel_loop3A_125 : i32 to index
      %parallel_loop3A_127 = tpu.vector_load %arg6[%parallel_loop3A_126] {strides = array<i32>} : memref<6400xi32, #tpu.memory_space<vmem>>, vector<16xi32>,
      %parallel_loop3A_128 = arith.constant 128 : i32
      %parallel_loop3A_129 = arith.addi %parallel_loop3A_39, %parallel_loop3A_128 : i32
      %parallel_loop3A_130 = arith.constant 64 : i32
      %parallel_loop3A_131 = arith.addi %parallel_loop3A_129, %parallel_loop3A_130 : i32
      %parallel_loop3A_132 = arith.index_cast %parallel_loop3A_131 : i32 to index
      %parallel_loop3A_133 = tpu.vector_load %arg6[%parallel_loop3A_132] {strides = array<i32>} : memref<6400xi32, #tpu.memory_space<vmem>>, vector<16xi32>,
      %parallel_loop3A_134 = tpu.vector_load_idx %arg5[%parallel_loop3A_127] : memref<100000xi32, #tpu.memory_space<vmem>>[vector<16xi32>], vector<16xi32>,
      %parallel_loop3A_135 = tpu.vector_load_idx %arg5[%parallel_loop3A_133] : memref<100000xi32, #tpu.memory_space<vmem>>[vector<16xi32>], vector<16xi32>,
      %parallel_loop3A_136 = vector.bitcast %parallel_loop3A_134 : vector<16xi32> to vector<32xbf16>
      %parallel_loop3A_137 = vector.bitcast %parallel_loop3A_135 : vector<16xi32> to vector<32xbf16>
      %parallel_loop3A_138 = arith.subf %parallel_loop3A_136, %parallel_loop3A_137 : vector<32xbf16>
      %parallel_loop3A_139 = tpu.unpack_subelements %parallel_loop3A_138, 0 {pack_format = #tpu.pack_format<interleaved>} : vector<32xbf16> -> vector<16xf32>
      %parallel_loop3A_140 = tpu.unpack_subelements %parallel_loop3A_138, 1 {pack_format = #tpu.pack_format<interleaved>} : vector<32xbf16> -> vector<16xf32>
      %parallel_loop3A_141 = arith.mulf %parallel_loop3A_139, %parallel_loop3A_139 : vector<16xf32>
      %parallel_loop3A_142 = arith.addf %parallel_loop3A_123, %parallel_loop3A_141 : vector<16xf32>
      %parallel_loop3A_143 = arith.mulf %parallel_loop3A_140, %parallel_loop3A_140 : vector<16xf32>
      %parallel_loop3A_144 = arith.addf %parallel_loop3A_142, %parallel_loop3A_143 : vector<16xf32>
      %parallel_loop3A_145 = arith.constant 80 : i32
      %parallel_loop3A_146 = arith.addi %parallel_loop3A_39, %parallel_loop3A_145 : i32
      %parallel_loop3A_147 = arith.index_cast %parallel_loop3A_146 : i32 to index
      %parallel_loop3A_148 = tpu.vector_load %arg6[%parallel_loop3A_147] {strides = array<i32>} : memref<6400xi32, #tpu.memory_space<vmem>>, vector<16xi32>,
      %parallel_loop3A_149 = arith.constant 128 : i32
      %parallel_loop3A_150 = arith.addi %parallel_loop3A_39, %parallel_loop3A_149 : i32
      %parallel_loop3A_151 = arith.constant 80 : i32
      %parallel_loop3A_152 = arith.addi %parallel_loop3A_150, %parallel_loop3A_151 : i32
      %parallel_loop3A_153 = arith.index_cast %parallel_loop3A_152 : i32 to index
      %parallel_loop3A_154 = tpu.vector_load %arg6[%parallel_loop3A_153] {strides = array<i32>} : memref<6400xi32, #tpu.memory_space<vmem>>, vector<16xi32>,
      %parallel_loop3A_155 = tpu.vector_load_idx %arg5[%parallel_loop3A_148] : memref<100000xi32, #tpu.memory_space<vmem>>[vector<16xi32>], vector<16xi32>,
      %parallel_loop3A_156 = tpu.vector_load_idx %arg5[%parallel_loop3A_154] : memref<100000xi32, #tpu.memory_space<vmem>>[vector<16xi32>], vector<16xi32>,
      %parallel_loop3A_157 = vector.bitcast %parallel_loop3A_155 : vector<16xi32> to vector<32xbf16>
      %parallel_loop3A_158 = vector.bitcast %parallel_loop3A_156 : vector<16xi32> to vector<32xbf16>
      %parallel_loop3A_159 = arith.subf %parallel_loop3A_157, %parallel_loop3A_158 : vector<32xbf16>
      %parallel_loop3A_160 = tpu.unpack_subelements %parallel_loop3A_159, 0 {pack_format = #tpu.pack_format<interleaved>} : vector<32xbf16> -> vector<16xf32>
      %parallel_loop3A_161 = tpu.unpack_subelements %parallel_loop3A_159, 1 {pack_format = #tpu.pack_format<interleaved>} : vector<32xbf16> -> vector<16xf32>
      %parallel_loop3A_162 = arith.mulf %parallel_loop3A_160, %parallel_loop3A_160 : vector<16xf32>
      %parallel_loop3A_163 = arith.addf %parallel_loop3A_144, %parallel_loop3A_162 : vector<16xf32>
      %parallel_loop3A_164 = arith.mulf %parallel_loop3A_161, %parallel_loop3A_161 : vector<16xf32>
      %parallel_loop3A_165 = arith.addf %parallel_loop3A_163, %parallel_loop3A_164 : vector<16xf32>
      %parallel_loop3A_166 = arith.constant 96 : i32
      %parallel_loop3A_167 = arith.addi %parallel_loop3A_39, %parallel_loop3A_166 : i32
      %parallel_loop3A_168 = arith.index_cast %parallel_loop3A_167 : i32 to index
      %parallel_loop3A_169 = tpu.vector_load %arg6[%parallel_loop3A_168] {strides = array<i32>} : memref<6400xi32, #tpu.memory_space<vmem>>, vector<16xi32>,
      %parallel_loop3A_170 = arith.constant 128 : i32
      %parallel_loop3A_171 = arith.addi %parallel_loop3A_39, %parallel_loop3A_170 : i32
      %parallel_loop3A_172 = arith.constant 96 : i32
      %parallel_loop3A_173 = arith.addi %parallel_loop3A_171, %parallel_loop3A_172 : i32
      %parallel_loop3A_174 = arith.index_cast %parallel_loop3A_173 : i32 to index
      %parallel_loop3A_175 = tpu.vector_load %arg6[%parallel_loop3A_174] {strides = array<i32>} : memref<6400xi32, #tpu.memory_space<vmem>>, vector<16xi32>,
      %parallel_loop3A_176 = tpu.vector_load_idx %arg5[%parallel_loop3A_169] : memref<100000xi32, #tpu.memory_space<vmem>>[vector<16xi32>], vector<16xi32>,
      %parallel_loop3A_177 = tpu.vector_load_idx %arg5[%parallel_loop3A_175] : memref<100000xi32, #tpu.memory_space<vmem>>[vector<16xi32>], vector<16xi32>,
      %parallel_loop3A_178 = vector.bitcast %parallel_loop3A_176 : vector<16xi32> to vector<32xbf16>
      %parallel_loop3A_179 = vector.bitcast %parallel_loop3A_177 : vector<16xi32> to vector<32xbf16>
      %parallel_loop3A_180 = arith.subf %parallel_loop3A_178, %parallel_loop3A_179 : vector<32xbf16>
      %parallel_loop3A_181 = tpu.unpack_subelements %parallel_loop3A_180, 0 {pack_format = #tpu.pack_format<interleaved>} : vector<32xbf16> -> vector<16xf32>
      %parallel_loop3A_182 = tpu.unpack_subelements %parallel_loop3A_180, 1 {pack_format = #tpu.pack_format<interleaved>} : vector<32xbf16> -> vector<16xf32>
      %parallel_loop3A_183 = arith.mulf %parallel_loop3A_181, %parallel_loop3A_181 : vector<16xf32>
      %parallel_loop3A_184 = arith.addf %parallel_loop3A_165, %parallel_loop3A_183 : vector<16xf32>
      %parallel_loop3A_185 = arith.mulf %parallel_loop3A_182, %parallel_loop3A_182 : vector<16xf32>
      %parallel_loop3A_186 = arith.addf %parallel_loop3A_184, %parallel_loop3A_185 : vector<16xf32>
      %parallel_loop3A_187 = arith.constant 112 : i32
      %parallel_loop3A_188 = arith.addi %parallel_loop3A_39, %parallel_loop3A_187 : i32
      %parallel_loop3A_189 = arith.index_cast %parallel_loop3A_188 : i32 to index
      %parallel_loop3A_190 = tpu.vector_load %arg6[%parallel_loop3A_189] {strides = array<i32>} : memref<6400xi32, #tpu.memory_space<vmem>>, vector<16xi32>,
      %parallel_loop3A_191 = arith.constant 128 : i32
      %parallel_loop3A_192 = arith.addi %parallel_loop3A_39, %parallel_loop3A_191 : i32
      %parallel_loop3A_193 = arith.constant 112 : i32
      %parallel_loop3A_194 = arith.addi %parallel_loop3A_192, %parallel_loop3A_193 : i32
      %parallel_loop3A_195 = arith.index_cast %parallel_loop3A_194 : i32 to index
      %parallel_loop3A_196 = tpu.vector_load %arg6[%parallel_loop3A_195] {strides = array<i32>} : memref<6400xi32, #tpu.memory_space<vmem>>, vector<16xi32>,
      %parallel_loop3A_197 = tpu.vector_load_idx %arg5[%parallel_loop3A_190] : memref<100000xi32, #tpu.memory_space<vmem>>[vector<16xi32>], vector<16xi32>,
      %parallel_loop3A_198 = tpu.vector_load_idx %arg5[%parallel_loop3A_196] : memref<100000xi32, #tpu.memory_space<vmem>>[vector<16xi32>], vector<16xi32>,
      %parallel_loop3A_199 = vector.bitcast %parallel_loop3A_197 : vector<16xi32> to vector<32xbf16>
      %parallel_loop3A_200 = vector.bitcast %parallel_loop3A_198 : vector<16xi32> to vector<32xbf16>
      %parallel_loop3A_201 = arith.subf %parallel_loop3A_199, %parallel_loop3A_200 : vector<32xbf16>
      %parallel_loop3A_202 = tpu.unpack_subelements %parallel_loop3A_201, 0 {pack_format = #tpu.pack_format<interleaved>} : vector<32xbf16> -> vector<16xf32>
      %parallel_loop3A_203 = tpu.unpack_subelements %parallel_loop3A_201, 1 {pack_format = #tpu.pack_format<interleaved>} : vector<32xbf16> -> vector<16xf32>
      %parallel_loop3A_204 = arith.mulf %parallel_loop3A_202, %parallel_loop3A_202 : vector<16xf32>
      %parallel_loop3A_205 = arith.addf %parallel_loop3A_186, %parallel_loop3A_204 : vector<16xf32>
      %parallel_loop3A_206 = arith.mulf %parallel_loop3A_203, %parallel_loop3A_203 : vector<16xf32>
      %parallel_loop3A_207 = arith.addf %parallel_loop3A_205, %parallel_loop3A_206 : vector<16xf32>
      scf.yield %parallel_loop3A_207 : vector<16xf32>
    } {sc.loop_unroll_factor = 1 : i64, sc.parallel_access}
    %swap3A = arith.constant 0 : index
    %swap3A_35 = tpu.vector_load %arg8[%swap3A] {strides = array<i32>} : memref<16xf32, #tpu.memory_space<vmem>>, vector<16xf32>,
    tpu.vector_store %arg8[%swap3A], %parallel_loop3A_34 {strides = array<i32>} : memref<16xf32, #tpu.memory_space<vmem>>, vector<16xf32>,
    "tpu.region"() ({
      %run_scoped3A = tpu.sem_alloc : memref<!tpu.dma_semaphore, #tpu.memory_space<semaphore_mem>>
      %dma_start3A_36 = arith.constant 0 : i32
      %dma_start3A_37 = tpu.memref_slice %arg4[%arg0, %arg1, %dma_start3A_36] : memref<2x16x16xf32, #tpu.memory_space<hbm>> -> memref<1x1x16xf32, #tpu.memory_space<hbm>>
      %dma_start3A_38 = tpu.memref_squeeze %dma_start3A_37 : memref<1x1x16xf32, #tpu.memory_space<hbm>> -> memref<16xf32, #tpu.memory_space<hbm>>
      %dma_start3A_39 = arith.constant 0 : i32
      %dma_start3A_40 = tpu.memref_slice %arg4[%arg0, %arg1, %dma_start3A_39] : memref<2x16x16xf32, #tpu.memory_space<hbm>> -> memref<1x1x16xf32, #tpu.memory_space<hbm>>
      %dma_start3A_41 = tpu.memref_squeeze %dma_start3A_40 : memref<1x1x16xf32, #tpu.memory_space<hbm>> -> memref<16xf32, #tpu.memory_space<hbm>>
      tpu.enqueue_dma source(%arg8 : memref<16xf32, #tpu.memory_space<vmem>>) target(%dma_start3A_41 : memref<16xf32, #tpu.memory_space<hbm>>) target_semaphore(%run_scoped3A : memref<!tpu.dma_semaphore, #tpu.memory_space<semaphore_mem>>)
      %dma_wait3A_42 = arith.constant 0 : i32
      %dma_wait3A_43 = tpu.memref_slice %arg4[%arg0, %arg1, %dma_wait3A_42] : memref<2x16x16xf32, #tpu.memory_space<hbm>> -> memref<1x1x16xf32, #tpu.memory_space<hbm>>
      %dma_wait3A_44 = tpu.memref_squeeze %dma_wait3A_43 : memref<1x1x16xf32, #tpu.memory_space<hbm>> -> memref<16xf32, #tpu.memory_space<hbm>>
      %dma_wait3A_45 = arith.constant 0 : i32
      %dma_wait3A_46 = tpu.memref_slice %arg4[%arg0, %arg1, %dma_wait3A_45] : memref<2x16x16xf32, #tpu.memory_space<hbm>> -> memref<1x1x16xf32, #tpu.memory_space<hbm>>
      %dma_wait3A_47 = tpu.memref_squeeze %dma_wait3A_46 : memref<1x1x16xf32, #tpu.memory_space<hbm>> -> memref<16xf32, #tpu.memory_space<hbm>>
      tpu.wait_dma2 semaphore(%run_scoped3A : memref<!tpu.dma_semaphore, #tpu.memory_space<semaphore_mem>>) src(%arg8 : memref<16xf32, #tpu.memory_space<vmem>>) dst(%dma_wait3A_47 : memref<16xf32, #tpu.memory_space<hbm>>)
      tpu.yield
    }) : () -> ()
    return
  }
}

module attributes {stable_mosaic.version = 14 : i64} {
  func.func @_tc_body(%arg0: memref<16x100000xf32, #tpu.memory_space<vmem>>, %arg1: memref<100000xi32, #tpu.memory_space<vmem>>, %arg2: memref<100000xi32, #tpu.memory_space<vmem>>, %arg3: memref<2x100000xf32, #tpu.memory_space<vmem>>, %arg4: memref<2xf32, #tpu.memory_space<smem>>) attributes {dimension_semantics = [], scalar_prefetch = 0 : i64, scratch_operands = 0 : i64, tpu.core_type = #tpu.core_type<tc>} {
    %get3A = arith.constant 0 : index
    %get3A_0 = arith.constant 0 : index
    %get3A_1 = vector.load %arg0[%get3A, %get3A_0] : memref<16x100000xf32, #tpu.memory_space<vmem>>, vector<16x100000xf32>
    %get3A_2 = arith.constant 0 : index
    %get3A_3 = vector.load %arg1[%get3A_2] : memref<100000xi32, #tpu.memory_space<vmem>>, vector<100000xi32>
    %get3A_4 = arith.constant 0 : index
    %get3A_5 = vector.load %arg2[%get3A_4] : memref<100000xi32, #tpu.memory_space<vmem>>, vector<100000xi32>
    %convert_element_type3A = arith.sitofp %get3A_5 : vector<100000xi32> to vector<100000xf32>
    %iota3A = tpu.iota {dimensions = array<i32: 0>} : vector<16x100000xi32>
    %broadcast_in_dim3A = vector.shape_cast %get3A_3 : vector<100000xi32> to vector<1x100000xi32>
    %eq3A = vector.broadcast %broadcast_in_dim3A : vector<1x100000xi32> to vector<16x100000xi32>
    %eq3A_6 = arith.cmpi eq, %iota3A, %eq3A : vector<16x100000xi32>
    %jit3A = arith.constant 0.000000e+00 : f32
    %broadcast_in_dim3A_7 = vector.broadcast %jit3A : f32 to vector<16x100000xf32>
    %select_n3A = arith.select %eq3A_6, %get3A_1, %broadcast_in_dim3A_7 : vector<16x100000xi1>, vector<16x100000xf32>
    %reduce_sum3A = arith.constant dense<0.000000e+00> : vector<100000xf32>
    %reduce_sum3A_8 = vector.multi_reduction <add>, %select_n3A, %reduce_sum3A [0] : vector<16x100000xf32> to vector<100000xf32>
    %log3A = math.log %reduce_sum3A_8 : vector<100000xf32>
    %mul3A = arith.mulf %log3A, %convert_element_type3A : vector<100000xf32>
    %reduce_sum3A_9 = vector.shape_cast %mul3A : vector<100000xf32> to vector<1x100000xf32>
    %reduce_sum3A_10 = arith.constant dense<0.000000e+00> : vector<1xf32>
    %reduce_sum3A_11 = vector.multi_reduction <add>, %reduce_sum3A_9, %reduce_sum3A_10 [1] : vector<1x100000xf32> to vector<1xf32>
    %reduce_sum3A_12 = vector.shape_cast %reduce_sum3A_11 : vector<1xf32> to vector<1x1xf32>
    %reduce_sum3A_13 = vector.extract %reduce_sum3A_12[0, 0] : f32 from vector<1x1xf32>
    %neg3A = arith.constant 0.000000e+00 : f32
    %neg3A_14 = arith.subf %neg3A, %reduce_sum3A_13 : f32
    %reduce_sum3A_15 = vector.shape_cast %convert_element_type3A : vector<100000xf32> to vector<1x100000xf32>
    %reduce_sum3A_16 = arith.constant dense<0.000000e+00> : vector<1xf32>
    %reduce_sum3A_17 = vector.multi_reduction <add>, %reduce_sum3A_15, %reduce_sum3A_16 [1] : vector<1x100000xf32> to vector<1xf32>
    %reduce_sum3A_18 = vector.shape_cast %reduce_sum3A_17 : vector<1xf32> to vector<1x1xf32>
    %reduce_sum3A_19 = vector.extract %reduce_sum3A_18[0, 0] : f32 from vector<1x1xf32>
    %div3A = arith.divf %neg3A_14, %reduce_sum3A_19 : f32
    %get3A_20 = arith.constant 1 : index
    %get3A_21 = arith.constant 0 : index
    %get3A_22 = vector.load %arg3[%get3A_20, %get3A_21] : memref<2x100000xf32, #tpu.memory_space<vmem>>, vector<1x100000xf32>
    %get3A_23 = vector.shape_cast %get3A_22 : vector<1x100000xf32> to vector<100000xf32>
    %reduce_sum3A_24 = vector.shape_cast %get3A_23 : vector<100000xf32> to vector<1x100000xf32>
    %reduce_sum3A_25 = arith.constant dense<0.000000e+00> : vector<1xf32>
    %reduce_sum3A_26 = vector.multi_reduction <add>, %reduce_sum3A_24, %reduce_sum3A_25 [1] : vector<1x100000xf32> to vector<1xf32>
    %reduce_sum3A_27 = vector.shape_cast %reduce_sum3A_26 : vector<1xf32> to vector<1x1xf32>
    %reduce_sum3A_28 = vector.extract %reduce_sum3A_27[0, 0] : f32 from vector<1x1xf32>
    %sub3A = arith.constant 1.000000e+05 : f32
    %sub3A_29 = arith.subf %sub3A, %reduce_sum3A_28 : f32
    %swap3A = arith.constant 0 : index
    %swap3A_30 = memref.load %arg4[%swap3A] : memref<2xf32, #tpu.memory_space<smem>>
    memref.store %div3A, %arg4[%swap3A] : memref<2xf32, #tpu.memory_space<smem>>
    %swap3A_31 = arith.constant 1 : index
    %swap3A_32 = memref.load %arg4[%swap3A_31] : memref<2xf32, #tpu.memory_space<smem>>
    memref.store %sub3A_29, %arg4[%swap3A_31] : memref<2xf32, #tpu.memory_space<smem>>
    return
  }
}

module attributes {stable_mosaic.version = 14 : i64} {
  func.func @_combine_body(%arg0: memref<2x16x16xf32, #tpu.memory_space<vmem>>, %arg1: memref<2xf32, #tpu.memory_space<smem>>, %arg2: memref<1xf32, #tpu.memory_space<smem>>) attributes {dimension_semantics = [], scalar_prefetch = 0 : i64, scratch_operands = 0 : i64, tpu.core_type = #tpu.core_type<tc>} {
    %get3A = arith.constant 0 : index
    %get3A_0 = arith.constant 0 : index
    %get3A_1 = arith.constant 0 : index
    %get3A_2 = vector.load %arg0[%get3A, %get3A_0, %get3A_1] : memref<2x16x16xf32, #tpu.memory_space<vmem>>, vector<2x16x16xf32>
    %reduce_sum3A = vector.shape_cast %get3A_2 : vector<2x16x16xf32> to vector<1x2x16x16xf32>
    %reduce_sum3A_3 = arith.constant dense<0.000000e+00> : vector<1xf32>
    %reduce_sum3A_4 = vector.multi_reduction <add>, %reduce_sum3A, %reduce_sum3A_3 [1, 2, 3] : vector<1x2x16x16xf32> to vector<1xf32>
    %reduce_sum3A_5 = vector.shape_cast %reduce_sum3A_4 : vector<1xf32> to vector<1x1x1x1xf32>
    %reduce_sum3A_6 = vector.extract %reduce_sum3A_5[0, 0, 0, 0] : f32 from vector<1x1x1x1xf32>
    %get3A_7 = arith.constant 0 : index
    %get3A_8 = memref.load %arg1[%get3A_7] : memref<2xf32, #tpu.memory_space<smem>>
    %mul3A = arith.constant 5.000000e-01 : f32
    %mul3A_9 = arith.mulf %mul3A, %reduce_sum3A_6 : f32
    %get3A_10 = arith.constant 1 : index
    %get3A_11 = memref.load %arg1[%get3A_10] : memref<2xf32, #tpu.memory_space<smem>>
    %mul3A_12 = arith.mulf %mul3A_9, %get3A_11 : f32
    %add3A = arith.addf %get3A_8, %mul3A_12 : f32
    %swap3A = arith.constant 0 : index
    %swap3A_13 = memref.load %arg2[%swap3A] : memref<1xf32, #tpu.memory_space<smem>>
    memref.store %add3A, %arg2[%swap3A] : memref<1xf32, #tpu.memory_space<smem>>
    return
  }
}

</mosaic_0001>

<sc_bundles>
// kernel: kernel.5.cloned.1.call-start
scs
__scs_entry_jumppad:
0x0: {  	(pc) =	sbr.rel $0x88, $3  }
0x1: {  	(tag) =	ssettag $0x0;
	lr =	simm.s32 $0x1  }
0x2: {  	[smem:$0x3F9C] =	sst lr;
	_ =	strace $0xD0000000  }
0x3: {  	_ = 	snop  }
0x4: {  	_ = 	snop  }
0x5: {  	_ = 	snop  }
0x6: {  	_ = 	snop  }
0x7: {  	_ = 	snop  }
__scs_overlays_trampoline_lowered:
0x8: {  	[smem:$0x3FAB] =	sst s0  }
0x9: {  	[smem:$0x3FAC] =	sst s1  }
0xa: {  	[smem:$0x3FAD] =	sst s2  }
0xb: {  	[smem:$0x3FAE] =	sst s3  }
0xc: {  	[smem:$0x3FAF] =	sst s4  }
0xd: {  	[smem:$0x3FB0] =	sst s5  }
0xe: {  	[smem:$0x3FB1] =	sst s6  }
0xf: {  	[smem:$0x3FB2] =	sst s7  }
0x10: {  	[smem:$0x3FB3] =	sst s8  }
0x11: {  	[smem:$0x3FB4] =	sst s9;
	s0 =	simm.s32 @!p0 $0x0  }
0x12: {  	s1 =	sld [smem:$0x3F9A];
	s0 =	simm.s32 @p0 $0x1  }
0x13: {  	[smem:$0x3FB5] =	sst s0;
	s0 =	simm.s32 @!p1 $0x0  }
0x14: {  	s2 =	sld [smem:$0x3F99];
	s0 =	simm.s32 @p1 $0x1  }
0x15: {  	[smem:$0x3FB6] =	sst s0;
	s0 =	simm.s32 @!p2 $0x0  }
0x16: {  	s3 =	sld [smem:$0x3FDB];
	s0 =	simm.s32 @p2 $0x1  }
0x17: {  	s4 =	simm.s32 $0x1BF5;
	[smem:$0x3FB8] =	sst s0  }
0x18: {  	s0 =	sld [smem:$0x3F9B];
	_ =	swait.ge [sflag:s4], $0x0  }
0x19: {  	s7 =	sld [smem:$0x3F9C]  }
0x1a: {  	s8 =	sadd.s32 $0xFFFFE003, lr  }
0x1b: {  	s9 =	sadd.s32 $0xFFFFFEF7, lr;
	s5 =	simm.s32 $0xFFFFFFFF;
	p2 =	slt.u32 s8, $0xFFFFF086  }
0x1c: {  	p1 =	slt.u32 s9, $0xF7A;
	s5 =	simm.s32 @!p2 $0x0  }
0x1d: {  	s5 =	simm.s32 @p1 $0x1;
	p0 =	seq.s32 s7, s2  }
0x1e: {  	s7 =	smul.u32 @!p0 $0xF7A, s2;
	p2 =	seq.s32 @!p0 s5, $0x0  }
0x1f: {  	s9 =	smul.u32 $0xF7A, s1;
	s8 =	simm.s32 @!p0 $0x1BF5;
	p2 =	por !p2, p0  }
0x20: {  	[sflag:s8] =	ssyncset.s32 @!p0 $0xFFFFF086;
	s6 =	sadd.s32 @!p0 s3, s7;
	s7 =	simm.s32 @!p0 $0x108  }
0x21: {  	s3 =	sadd.s32 s3, s9;
	s6 =	sadd.s32 @!p0 $0x88, s6;
	s7 =	simm.s32 @p2 $0x1082  }
0x22: {  	[simem:s7], [sflag:s8] =	dma.local @!p0 [hbm:s6], $0xF7A  }
0x23: {  	s9 =	sor.u32 $0xD0000000, s2;
	s6 =	simm.s32 $0x108;
	_ =	swait.ge @!p0 [sflag:s8], $0x0  }
0x24: {  	s3 =	sadd.s32 $0x88, s3;
	s6 =	simm.s32 @!p1 $0x1082;
	[sflag:s4] =	ssyncset.s32 $0xFFFFF086  }
0x25: {  	[simem:s6], [sflag:s4] =	dma.local [hbm:s3], $0xF7A  }
0x26: {  	[smem:$0x3F9C] =	sst s1;
	(tag) =	ssettag s2;
	_ =	strace s9  }
0x27: {  	s1 =	sld [smem:$0x3FAC]  }
0x28: {  	s2 =	sld [smem:$0x3FAD]  }
0x29: {  	s4 =	sld [smem:$0x3FAF]  }
0x2a: {  	p0 =	seq.s32 s5, $0x0;
	s5 =	sld [smem:$0x3FB0]  }
0x2b: {  	s6 =	sld [smem:$0x3FB1]  }
0x2c: {  	s7 =	sld [smem:$0x3FB2]  }
0x2d: {  	s3 =	simm.s32 $0x108;
	s8 =	sld [smem:$0x3FB3]  }
0x2e: {  	s3 =	simm.s32 @!p0 $0x1082;
	s9 =	sld [smem:$0x3FB4]  }
0x2f: {  	lr =	sadd.s32 s0, s3;
	s0 =	sld [smem:$0x3FAB]  }
0x30: {  	s3 =	sld [smem:$0x3FAE]  }
0x31: {  	[smem:$0x3FB7] =	sst s10  }
0x32: {  	s10 =	sld [smem:$0x3FB5];
	_ =	sdelay $0x3  }
0x33: {  	p0 =	seq.s32 s10, $0x1;
	s10 =	sld [smem:$0x3FB7];
	_ =	sdelay $0x3  }
0x34: {  	[smem:$0x3FB7] =	sst s10  }
0x35: {  	s10 =	sld [smem:$0x3FB6];
	_ =	sdelay $0x3  }
0x36: {  	p1 =	seq.s32 s10, $0x1;
	s10 =	sld [smem:$0x3FB7];
	_ =	sdelay $0x3  }
0x37: {  	[smem:$0x3FB7] =	sst s10  }
0x38: {  	s10 =	sld [smem:$0x3FB8]  }
0x39: {  	_ = 	snop;
	(pc) =	sbr.ind lr, $3  }
0x3a: {  	_ = 	snop  }
0x3b: {  	_ = 	snop  }
0x3c: {  	p2 =	seq.s32 s10, $0x1;
	s10 =	sld [smem:$0x3FB7]  }
0x3d: {  	_ =	shalt  }
0x3e: {  	_ =	shalt  }
0x3f: {  	_ =	shalt  }
0x40: {  	_ =	shalt  }
0x41: {  	_ =	shalt  }
0x42: {  	_ =	shalt  }
0x43: {  	_ =	shalt  }
0x44: {  	_ =	shalt  }
0x45: {  	_ =	shalt  }
0x46: {  	_ =	shalt  }
0x47: {  	_ =	shalt  }
0x48: {  	_ =	shalt  }
0x49: {  	_ =	shalt  }
0x4a: {  	_ =	shalt  }
0x4b: {  	_ =	shalt  }
0x4c: {  	_ =	shalt  }
0x4d: {  	_ =	shalt  }
0x4e: {  	_ =	shalt  }
0x4f: {  	_ =	shalt  }
0x50: {  	_ =	shalt  }
0x51: {  	_ =	shalt  }
0x52: {  	_ =	shalt  }
0x53: {  	_ =	shalt  }
0x54: {  	_ =	shalt  }
0x55: {  	_ =	shalt  }
0x56: {  	_ =	shalt  }
0x57: {  	_ =	shalt  }
0x58: {  	_ =	shalt  }
0x59: {  	_ =	shalt  }
0x5a: {  	_ =	shalt  }
0x5b: {  	_ =	shalt  }
0x5c: {  	_ =	shalt  }
0x5d: {  	_ =	shalt  }
0x5e: {  	_ =	shalt  }
0x5f: {  	_ =	shalt  }
0x60: {  	_ =	shalt  }
0x61: {  	_ =	shalt  }
0x62: {  	_ =	shalt  }
0x63: {  	_ =	shalt  }
0x64: {  	_ =	shalt  }
0x65: {  	_ =	shalt  }
0x66: {  	_ =	shalt  }
0x67: {  	_ =	shalt  }
0x68: {  	_ =	shalt  }
0x69: {  	_ =	shalt  }
0x6a: {  	_ =	shalt  }
0x6b: {  	_ =	shalt  }
0x6c: {  	_ =	shalt  }
0x6d: {  	_ =	shalt  }
0x6e: {  	_ =	shalt  }
0x6f: {  	_ =	shalt  }
0x70: {  	_ =	shalt  }
0x71: {  	_ =	shalt  }
0x72: {  	_ =	shalt  }
0x73: {  	_ =	shalt  }
0x74: {  	_ =	shalt  }
0x75: {  	_ =	shalt  }
0x76: {  	_ =	shalt  }
0x77: {  	_ =	shalt  }
0x78: {  	_ =	shalt  }
0x79: {  	_ =	shalt  }
0x7a: {  	_ =	shalt  }
0x7b: {  	_ =	shalt  }
0x7c: {  	_ =	shalt  }
0x7d: {  	_ =	shalt  }
0x7e: {  	_ =	shalt  }
0x7f: {  	_ =	shalt  }
0x80: {  	_ =	shalt  }
0x81: {  	_ =	shalt  }
0x82: {  	_ =	shalt  }
0x83: {  	_ =	shalt  }
0x84: {  	_ =	shalt  }
0x85: {  	_ =	shalt  }
0x86: {  	_ =	shalt  }
0x87: {  	_ =	shalt  }
.Lfunc_end0:
.L_simem_size_0:
called_computation_lowered:
.L_overlay_start_0:
0x88: {  	s2 =	sld [smem:$0x3FD9]  }
0x89: {  	s3 =	sld [smem:$0x3FFE];
	_ =	sdelay $0x1  }
0x8a: {  	s1 =	srdreg.scid  }
0x8b: {  	s0 =	sand.u32 $0x1, s1  }
0x8c: {  	s17 =	sshll.u32 s0, $0xA;
	s2 =	sadd.s32 s3, s2  }
0x8d: {  	s2 =	sadd.s32 s2, s17  }
0x8e: {  	[smem:$0x3FC3] =	sst s2  }
0x8f: {  	_ = 	snop  }
0x90: {  	s2 =	sld [smem:$0x3FC5];
	(tm) =	ssettm $0x1  }
0x91: {  	s18 =	sld [smem:$0x3FFB];
	_ =	sdelay $0x3  }
0x92: {  	_ =	strace s18  }
0x93: {  	s3 =	sld [smem:$0x3FFC];
	_ =	sdelay $0x3  }
0x94: {  	_ =	strace s3  }
0x95: {  	s3 =	sld [smem:$0x3FFD];
	_ =	sdelay $0x3  }
0x96: {  	_ =	strace s3  }
0x97: {  	_ =	strace $0x8FFFFFFF  }
0x98: {  	s19 =	sld [smem:$0x3FDB];
	_ =	sdelay $0x1  }
0x99: {  	s4 =	simm.s32 $_scs_section_size  }
0x9a: {  	s5 =	simm.s32 $_size__tile_overlayer_lowered;
	s6 =	simm.s32 $_tile_overlayer_lowered  }
0x9b: {  	s22 =	simm.s32 $0x1BFF;
	s21 =	sshll.u32 s6, $0x1;
	s3 =	sadd.s32 s4, s19  }
0x9c: {  	s7 =	simm.s32 $0x0;
	s20 =	sshll.u32 s5, $0x1;
	s5 =	sadd.s32 s21, s3  }
0x9d: {  	[timem:s7], [sflag:s22] =	dma.local [hbm:s5], s20  }
0x9e: {  	_ =	swait.ge [sflag:s22], s20  }
0x9f: {  	s4 =	ssub.s32 $0x0, s20;
	[sflag:s22] =	ssyncset.done $0x0  }
0xa0: {  	[sflag:s22] =	ssyncadd.s32 s4;
	_ =	sdelay $0x1  }
0xa1: {  	s23 =	simm.s32 $0x1B8B  }
0xa2: {  	_ =	swait.ge [sflag:s23], $0x1  }
0xa3: {  	[sflag:s23] =	ssyncset.done $0x0  }
0xa4: {  	s25 =	simm.s32 $0x1B8E;
	s24 =	sld [smem:$0x3FFE];
	[sflag:s23] =	ssyncadd.s32 $0xFFFFFFFF  }
0xa5: {  	s26 =	simm.s32 $execute0_lowered;
	[smem:$0x3FD2] =	sst s25  }
0xa6: {  	s5 =	sshll.u32 s26, $0x1;
	_ =	strace $0x80000046;
	[dreg:$0x1] =	wrdreg $0xFFFFFFFF  }
0xa7: {  	s28 =	simm.s32 $_size_execute0_lowered;
	s3 =	sadd.s32 s3, s5;
	[dreg:$0x0] =	wrdreg $0x0  }
0xa8: {  	s5 =	sshll.u32 s28, $0x1;
	[dreg:$0x2] =	wrdreg s3  }
0xa9: {  	[dreg:$0x3] =	wrdreg s5  }
0xaa: {  	[dreg:$0x4] =	wrdreg $0xC0  }
0xab: {  	_ =	task [dreg:s7], $0x5FFFF  }
0xac: {  	[dreg:$0x1] =	wrdreg $0xFFFFFFFF  }
0xad: {  	[dreg:$0x0] =	wrdreg $0x60  }
0xae: {  	[dreg:$0x2] =	wrdreg s24  }
0xaf: {  	[dreg:$0x3] =	wrdreg s2  }
0xb0: {  	[dreg:$0x4] =	wrdreg $0x9  }
0xb1: {  	_ =	task.clear_ibuf [dreg:s7], $0x5FFFF;
	_ =	strace $0x90000046  }
0xb2: {  	s29 =	simm.s32 $0x9;
	_ =	strace $0x80000048  }
0xb3: {  	_ =	swait.ge [sflag:s29], $0x1  }
0xb4: {  	[sflag:s29] =	ssyncadd.s32 $0xFFFFFFFF  }
0xb5: {  	_ =	strace $0x90000048  }
0xb6: {  	_ =	sfence  }
0xb7: {  	s30 =	sld [smem:$0x0];
	_ =	sdelay $0x2  }
0xb8: {  	s31 =	sshll.u32 s1, $0xD;
	s1 =	sshrl.u32 s1, $0x2  }
0xb9: {  	s3 =	sand.u32 $0x4000, s31;
	s1 =	sadd.s32 s1, s30  }
0xba: {  	s0 =	sor.u32 s3, s0;
	s1 =	sshll.u32 s1, $0x11  }
0xbb: {  	s0 =	sor.u32 s1, s0  }
0xbc: {  	s0 =	sadd.s32 $0x8F2B, s0  }
0xbd: {  	[sflag:s0] =	ssyncadd.remote.s32 $0x1  }
0xbe: {  	_ =	sfence.sel $0xFFFF  }
0xbf: {  	[dreg:$0x0] =	wrdreg $0xFFFFFFFF;
	(pc) =	sbr.abs _section_cstart, $3  }
0xc0: {  	[dreg:$0x1] =	wrdreg $0xFFFFFFFF  }
0xc1: {  	_ =	task.clear_ibuf [dreg:s7], $0x2FFFF;
	_ =	strace $0x9FFFFFFF  }
0xc2: {  	(tm) =	ssettm $0x7FFFFFFF  }
0xc3: {  	_ =	shalt  }
tec
execute0_lowered:
.L_overlay_start_1:
0x0: {  	(tag) =	ssettag $0x1  }
0x1: {  	s5 =	rddreg [dreg:$0x0]  }
0x2: {  	s2 =	rddreg [dreg:$0x1]  }
0x3: {  	s0 =	rddreg [dreg:$0x2];
	s1 =	stileid.u32  }
0x4: {  	s4 =	srdreg.scid;
	s3 =	simm.s32 $0x0;
	s8 =	simm.s32 $0x61A  }
0x5: {  	s13 =	simm.s32 $0x1;
	s14 =	simm.s32 $0x1A000;
	s15 =	simm.s32 $0x2  }
0x6: {  	s16 =	simm.s32 $0x1B900;
	s17 =	simm.s32 $0x3;
	s18 =	simm.s32 $0x0  }
0x7: {  	s9 =	sand.u32 $0x1, s4;
	s28 =	sshll.u32 s1, $0x1;
	[smem:$0x7FF] =	sst s3  }
0x8: {  	s4 =	sadd.s32 $0x1000, s5;
	p0 =	sgt.u32 s1, $0x7;
	s29 =	sshll.u32 s1, $0x4  }
0x9: {  	s6 =	sor.u32 s9, s28;
	_ =	strace $0x80000047;
	s10 =	ssub.s32 $0x2, s9  }
0xa: {  	s8 =	simm.s32 @!p0 $0x61B;
	s12 =	sadd.s32 s29, s5;
	s7 =	smul.u32 $0x61A, s6  }
0xb: {  	s31 =	sshll.u32 s9, $0x8;
	s9 =	simm.s32 $0x1;
	s6 =	smin.u32 s6, $0x10  }
0xc: {  	s13 =	simm.s32 @!p0 $0x0;
	s11 =	sshrl.u32 s10, $0x1;
	s6 =	sadd.s32 s6, s7  }
0xd: {  	s11 =	ssub.s32 s10, s11;
	s10 =	sadd.s32 s31, s12;
	s8 =	sadd.s32 s8, s6  }
0xe: {  	s12 =	sshll.u32 s13, $0xA;
	s13 =	simm.s32 $0x18700;
	s30 =	sshll.u32 s8, $0x8  }
0xf: {  	s10 =	sadd.s32 $0x4200, s10;
	s11 =	smax.u32 s11, $0x1;
	s8 =	sadd.s32 $0xFFFFF300, s30  }
0x10: {  	s5 =	sshll.u32 s6, $0x8;
	s6 =	sshll.u32 s6, $0x5;
	s8 =	sshrl.u32 s8, $0x3  }
0x11: {  	s6 =	sadd.s32 s2, s6;
	s7 =	sadd.s32 $0x1900, s5;
	s8 =	sadd.s32 s2, s8  }
.LBB2_1:
0x12: {  	[tilespmem:s3], [sflag:$0x1] =	stream.linear.gather [hbm4b:s4+s3], $0x18700, $0x38;
	[tilespmem:$0x1B980] =	vst v63  }
0x13: {  	_ = 	snop  }
0x14: {  	[tilespmem:s13], [sflag:$0x2] =	stream.linear.gather [hbm4b:s6+s3], $0x1900, $0x38;
	[tilespmem:$0x1B980] =	vst v63  }
0x15: {  	_ =	swait.ge [sflag:s9], $0x18700  }
0x16: {  	[sflag:s9] =	ssyncset.done $0x0  }
0x17: {  	v0 =	vimm.f32 $0.0e+00;
	s19 =	simm.s32 $0x0;
	[sflag:s9] =	ssyncadd.s32 $0xFFFE7900  }
.LBB2_2:
0x18: {  	s20 =	smul.u32 $0x3200, s19;
	_ =	sdelay $0x1  }
0x19: {  	s20 =	sadd.s32 s20, s7  }
0x1a: {  	s20 =	sshrl.u32 s20, $0x3  }
0x1b: {  	s20 =	sadd.s32 s2, s20  }
0x1c: {  	[tilespmem:s14], [sflag:$0x2] =	stream.linear.gather [hbm4b:s20+s3], $0x1900, $0x38;
	[tilespmem:$0x1B980] =	vst v63  }
0x1d: {  	_ =	swait.ge [sflag:s15], $0x1900  }
0x1e: {  	[sflag:s15] =	ssyncset.done $0x0  }
0x1f: {  	s31 =	simm.s32 $0x18900;
	[sflag:s15] =	ssyncadd.s32 $0xFFFFE700  }
0x20: {  	v1 =	vld [tilespmem:s31+$0xFFFFFE00]  }
0x21: {  	v2 =	vld [tilespmem:s31+$0xFFFFFE80];
	_ =	sdelay $0x1  }
0x22: {  	v3 =	vld [tilespmem:s31+$0xFFFFFE10]  }
0x23: {  	v4 =	vld [tilespmem:s31+$0xFFFFFE90]  }
0x24: {  	v5 =	vld [tilespmem:s31+$0xFFFFFE20]  }
0x25: {  	v6 =	vld [tilespmem:s31+$0xFFFFFEA0]  }
0x26: {  	v7 =	vld [tilespmem:s31+$0xFFFFFE30]  }
0x27: {  	v1 =	vld.idx.msk [tilespmem:v1+s3+$0x0], $0xffff  }
0x28: {  	v2 =	vld.idx.msk [tilespmem:v2+s3+$0x0], $0xffff  }
0x29: {  	v8 =	vld [tilespmem:s31+$0xFFFFFEB0]  }
0x2a: {  	v9 =	vld [tilespmem:s31+$0xFFFFFE40]  }
0x2b: {  	v3 =	vld.idx.msk [tilespmem:v3+s3+$0x0], $0xffff  }
0x2c: {  	v4 =	vld.idx.msk [tilespmem:v4+s3+$0x0], $0xffff  }
0x2d: {  	v10 =	vld [tilespmem:s31+$0xFFFFFEC0];
	v1 =	vsub.bf16 v1, v2  }
0x2e: {  	v2 =	vld.idx.msk [tilespmem:v5+s3+$0x0], $0xffff  }
0x2f: {  	v5 =	vld.idx.msk [tilespmem:v6+s3+$0x0], $0xffff;
	v6 =	vunpack.i.l.bf16.f32 v1  }
0x30: {  	v11 =	vld [tilespmem:s31+$0xFFFFFE50];
	v6 =	vmul.f32 v6, v6  }
0x31: {  	v12 =	vld [tilespmem:s31+$0xFFFFFED0];
	v3 =	vsub.bf16 v3, v4;
	v1 =	vunpack.i.u.bf16.f32 v1  }
0x32: {  	v56 =	vld [tilespmem:s31+$0xFFFFFF00];
	v1 =	vmul.f32 v1, v1;
	v0 =	vadd.f32 v6, v0  }
0x33: {  	v4 =	vld.idx.msk [tilespmem:v7+s3+$0x0], $0xffff;
	v7 =	vunpack.i.l.bf16.f32 v3  }
0x34: {  	v6 =	vld.idx.msk [tilespmem:v8+s3+$0x0], $0xffff;
	v0 =	vadd.f32 v0, v1;
	v1 =	vmul.f32 v7, v7  }
0x35: {  	v3 =	vunpack.i.u.bf16.f32 v3;
	v8 =	vld [tilespmem:s31+$0xFFFFFE60];
	v2 =	vsub.bf16 v2, v5  }
0x36: {  	v5 =	vld.idx.msk [tilespmem:v9+s3+$0x0], $0xffff;
	v0 =	vadd.f32 v1, v0;
	v1 =	vmul.f32 v3, v3  }
0x37: {  	v7 =	vld [tilespmem:s31+$0xFFFFFEE0];
	v9 =	vunpack.i.l.bf16.f32 v2  }
0x38: {  	v3 =	vld.idx.msk [tilespmem:v10+s3+$0x0], $0xffff;
	v0 =	vadd.f32 v0, v1;
	v1 =	vmul.f32 v9, v9  }
0x39: {  	v2 =	vunpack.i.u.bf16.f32 v2;
	v10 =	vld [tilespmem:s31+$0xFFFFFE70];
	v4 =	vsub.bf16 v4, v6  }
0x3a: {  	v6 =	vld.idx.msk [tilespmem:v11+s3+$0x0], $0xffff;
	v0 =	vadd.f32 v1, v0;
	v1 =	vmul.f32 v2, v2  }
0x3b: {  	v9 =	vld [tilespmem:s31+$0xFFFFFEF0];
	v11 =	vunpack.i.l.bf16.f32 v4  }
0x3c: {  	v2 =	vld.idx.msk [tilespmem:v12+s3+$0x0], $0xffff;
	v0 =	vadd.f32 v0, v1;
	v1 =	vmul.f32 v11, v11  }
0x3d: {  	v57 =	vld [tilespmem:s31+$0xFFFFFF30];
	v4 =	vunpack.i.u.bf16.f32 v4;
	v3 =	vsub.bf16 v5, v3  }
0x3e: {  	v11 =	vld [tilespmem:s31+$0xFFFFFF80];
	v0 =	vadd.f32 v1, v0;
	v1 =	vmul.f32 v4, v4  }
0x3f: {  	v4 =	vld.idx.msk [tilespmem:v7+s3+$0x0], $0xffff;
	v7 =	vunpack.i.l.bf16.f32 v3  }
0x40: {  	v5 =	vld.idx.msk [tilespmem:v8+s3+$0x0], $0xffff;
	v0 =	vadd.f32 v0, v1;
	v1 =	vmul.f32 v7, v7  }
0x41: {  	v8 =	vld [tilespmem:s31+$0xFFFFFF10];
	v3 =	vunpack.i.u.bf16.f32 v3;
	v2 =	vsub.bf16 v6, v2  }
0x42: {  	v7 =	vld [tilespmem:s31+$0xFFFFFF90];
	v0 =	vadd.f32 v1, v0;
	v1 =	vmul.f32 v3, v3  }
0x43: {  	v3 =	vld.idx.msk [tilespmem:v9+s3+$0x0], $0xffff;
	v9 =	vunpack.i.l.bf16.f32 v2  }
0x44: {  	v6 =	vld.idx.msk [tilespmem:v10+s3+$0x0], $0xffff;
	v0 =	vadd.f32 v0, v1;
	v1 =	vmul.f32 v9, v9  }
0x45: {  	v10 =	vld [tilespmem:s31+$0xFFFFFF20];
	v2 =	vunpack.i.u.bf16.f32 v2;
	v4 =	vsub.bf16 v5, v4  }
0x46: {  	v9 =	vld [tilespmem:s31+$0xFFFFFFA0];
	v0 =	vadd.f32 v1, v0;
	v1 =	vmul.f32 v2, v2  }
0x47: {  	v2 =	vld.idx.msk [tilespmem:v11+s3+$0x0], $0xffff;
	v11 =	vunpack.i.l.bf16.f32 v4  }
0x48: {  	v5 =	vld.idx.msk [tilespmem:v56+s3+$0x0], $0xffff;
	v0 =	vadd.f32 v0, v1;
	v1 =	vmul.f32 v11, v11  }
0x49: {  	v58 =	vld [tilespmem:s31+$0xFFFFFF60];
	v4 =	vunpack.i.u.bf16.f32 v4;
	v3 =	vsub.bf16 v6, v3  }
0x4a: {  	v11 =	vld [tilespmem:s31+$0xFFFFFFB0];
	v0 =	vadd.f32 v1, v0;
	v1 =	vmul.f32 v4, v4  }
0x4b: {  	v4 =	vld.idx.msk [tilespmem:v7+s3+$0x0], $0xffff;
	v7 =	vunpack.i.l.bf16.f32 v3  }
0x4c: {  	v6 =	vld.idx.msk [tilespmem:v8+s3+$0x0], $0xffff;
	v0 =	vadd.f32 v0, v1;
	v1 =	vmul.f32 v7, v7  }
0x4d: {  	v8 =	vld [tilespmem:s31+$0xFFFFFF40];
	v3 =	vunpack.i.u.bf16.f32 v3;
	v2 =	vsub.bf16 v5, v2  }
0x4e: {  	v7 =	vld [tilespmem:s31+$0xFFFFFFC0];
	v0 =	vadd.f32 v1, v0;
	v1 =	vmul.f32 v3, v3  }
0x4f: {  	v3 =	vld.idx.msk [tilespmem:v9+s3+$0x0], $0xffff;
	v9 =	vunpack.i.l.bf16.f32 v2  }
0x50: {  	v5 =	vld.idx.msk [tilespmem:v10+s3+$0x0], $0xffff;
	v0 =	vadd.f32 v0, v1;
	v1 =	vmul.f32 v9, v9  }
0x51: {  	v10 =	vld [tilespmem:s31+$0xFFFFFF50];
	v2 =	vunpack.i.u.bf16.f32 v2;
	v4 =	vsub.bf16 v6, v4  }
0x52: {  	v9 =	vld [tilespmem:s31+$0xFFFFFFD0];
	v0 =	vadd.f32 v1, v0;
	v1 =	vmul.f32 v2, v2  }
0x53: {  	v2 =	vld.idx.msk [tilespmem:v11+s3+$0x0], $0xffff;
	v11 =	vunpack.i.l.bf16.f32 v4  }
0x54: {  	v6 =	vld.idx.msk [tilespmem:v57+s3+$0x0], $0xffff;
	v0 =	vadd.f32 v0, v1;
	v1 =	vmul.f32 v11, v11  }
0x55: {  	v59 =	vld [tilespmem:s31+$0x10];
	v4 =	vunpack.i.u.bf16.f32 v4;
	v3 =	vsub.bf16 v5, v3  }
0x56: {  	v11 =	vld [tilespmem:s31+$0xFFFFFFE0];
	v0 =	vadd.f32 v1, v0;
	v1 =	vmul.f32 v4, v4  }
0x57: {  	v4 =	vld.idx.msk [tilespmem:v7+s3+$0x0], $0xffff;
	v7 =	vunpack.i.l.bf16.f32 v3  }
0x58: {  	v5 =	vld.idx.msk [tilespmem:v8+s3+$0x0], $0xffff;
	v0 =	vadd.f32 v0, v1;
	v1 =	vmul.f32 v7, v7  }
0x59: {  	v8 =	vld [tilespmem:s31+$0xFFFFFF70];
	v3 =	vunpack.i.u.bf16.f32 v3;
	v2 =	vsub.bf16 v6, v2  }
0x5a: {  	v7 =	vld [tilespmem:s31+$0xFFFFFFF0];
	v0 =	vadd.f32 v1, v0;
	v1 =	vmul.f32 v3, v3  }
0x5b: {  	v3 =	vld.idx.msk [tilespmem:v9+s3+$0x0], $0xffff;
	v9 =	vunpack.i.l.bf16.f32 v2  }
0x5c: {  	v6 =	vld.idx.msk [tilespmem:v10+s3+$0x0], $0xffff;
	v0 =	vadd.f32 v0, v1;
	v1 =	vmul.f32 v9, v9  }
0x5d: {  	v10 =	vld [tilespmem:s31+$0x0];
	v2 =	vunpack.i.u.bf16.f32 v2;
	v4 =	vsub.bf16 v5, v4  }
0x5e: {  	v9 =	vld [tilespmem:s31+$0x80];
	v0 =	vadd.f32 v1, v0;
	v1 =	vmul.f32 v2, v2  }
0x5f: {  	v2 =	vld.idx.msk [tilespmem:v11+s3+$0x0], $0xffff;
	v11 =	vunpack.i.l.bf16.f32 v4  }
0x60: {  	v5 =	vld.idx.msk [tilespmem:v58+s3+$0x0], $0xffff;
	v0 =	vadd.f32 v0, v1;
	v1 =	vmul.f32 v11, v11  }
0x61: {  	v60 =	vld [tilespmem:s31+$0x40];
	v4 =	vunpack.i.u.bf16.f32 v4;
	v3 =	vsub.bf16 v6, v3  }
0x62: {  	v11 =	vld [tilespmem:s31+$0x90];
	v0 =	vadd.f32 v1, v0;
	v1 =	vmul.f32 v4, v4  }
0x63: {  	v4 =	vld.idx.msk [tilespmem:v7+s3+$0x0], $0xffff;
	v7 =	vunpack.i.l.bf16.f32 v3  }
0x64: {  	v6 =	vld.idx.msk [tilespmem:v8+s3+$0x0], $0xffff;
	v0 =	vadd.f32 v0, v1;
	v1 =	vmul.f32 v7, v7  }
0x65: {  	v8 =	vld [tilespmem:s31+$0x20];
	v3 =	vunpack.i.u.bf16.f32 v3;
	v2 =	vsub.bf16 v5, v2  }
0x66: {  	v7 =	vld [tilespmem:s31+$0xA0];
	v0 =	vadd.f32 v1, v0;
	v1 =	vmul.f32 v3, v3  }
0x67: {  	v3 =	vld.idx.msk [tilespmem:v9+s3+$0x0], $0xffff;
	v9 =	vunpack.i.l.bf16.f32 v2  }
0x68: {  	v5 =	vld.idx.msk [tilespmem:v10+s3+$0x0], $0xffff;
	v0 =	vadd.f32 v0, v1;
	v1 =	vmul.f32 v9, v9  }
0x69: {  	v10 =	vld [tilespmem:s31+$0x30];
	v2 =	vunpack.i.u.bf16.f32 v2;
	v4 =	vsub.bf16 v6, v4  }
0x6a: {  	v9 =	vld [tilespmem:s31+$0xB0];
	v0 =	vadd.f32 v1, v0;
	v1 =	vmul.f32 v2, v2  }
0x6b: {  	v2 =	vld.idx.msk [tilespmem:v11+s3+$0x0], $0xffff;
	v11 =	vunpack.i.l.bf16.f32 v4  }
0x6c: {  	v6 =	vld.idx.msk [tilespmem:v59+s3+$0x0], $0xffff;
	v0 =	vadd.f32 v0, v1;
	v1 =	vmul.f32 v11, v11  }
0x6d: {  	v61 =	vld [tilespmem:s31+$0x70];
	v4 =	vunpack.i.u.bf16.f32 v4;
	v3 =	vsub.bf16 v5, v3  }
0x6e: {  	v11 =	vld [tilespmem:s31+$0xC0];
	v0 =	vadd.f32 v1, v0;
	v1 =	vmul.f32 v4, v4  }
0x6f: {  	v4 =	vld.idx.msk [tilespmem:v7+s3+$0x0], $0xffff;
	v7 =	vunpack.i.l.bf16.f32 v3  }
0x70: {  	v5 =	vld.idx.msk [tilespmem:v8+s3+$0x0], $0xffff;
	v0 =	vadd.f32 v0, v1;
	v1 =	vmul.f32 v7, v7  }
0x71: {  	v8 =	vld [tilespmem:s31+$0x50];
	v3 =	vunpack.i.u.bf16.f32 v3;
	v2 =	vsub.bf16 v6, v2  }
0x72: {  	v7 =	vld [tilespmem:s31+$0xD0];
	v0 =	vadd.f32 v1, v0;
	v1 =	vmul.f32 v3, v3  }
0x73: {  	v3 =	vld.idx.msk [tilespmem:v9+s3+$0x0], $0xffff;
	v9 =	vunpack.i.l.bf16.f32 v2  }
0x74: {  	v6 =	vld.idx.msk [tilespmem:v10+s3+$0x0], $0xffff;
	v0 =	vadd.f32 v0, v1;
	v1 =	vmul.f32 v9, v9  }
0x75: {  	v10 =	vld [tilespmem:s31+$0x60];
	v2 =	vunpack.i.u.bf16.f32 v2;
	v4 =	vsub.bf16 v5, v4  }
0x76: {  	v9 =	vld [tilespmem:s31+$0xE0];
	v0 =	vadd.f32 v1, v0;
	v1 =	vmul.f32 v2, v2  }
0x77: {  	v2 =	vld.idx.msk [tilespmem:v11+s3+$0x0], $0xffff;
	v11 =	vunpack.i.l.bf16.f32 v4  }
0x78: {  	v5 =	vld.idx.msk [tilespmem:v60+s3+$0x0], $0xffff;
	v0 =	vadd.f32 v0, v1;
	v1 =	vmul.f32 v11, v11  }
0x79: {  	v62 =	vld [tilespmem:s31+$0x120];
	v4 =	vunpack.i.u.bf16.f32 v4;
	v3 =	vsub.bf16 v6, v3  }
0x7a: {  	v11 =	vld [tilespmem:s31+$0xF0];
	v0 =	vadd.f32 v1, v0;
	v1 =	vmul.f32 v4, v4  }
0x7b: {  	v4 =	vld.idx.msk [tilespmem:v7+s3+$0x0], $0xffff;
	v7 =	vunpack.i.l.bf16.f32 v3  }
0x7c: {  	v6 =	vld.idx.msk [tilespmem:v8+s3+$0x0], $0xffff;
	v0 =	vadd.f32 v0, v1;
	v1 =	vmul.f32 v7, v7  }
0x7d: {  	v8 =	vld [tilespmem:s31+$0x100];
	v3 =	vunpack.i.u.bf16.f32 v3;
	v2 =	vsub.bf16 v5, v2  }
0x7e: {  	v7 =	vld [tilespmem:s31+$0x180];
	v0 =	vadd.f32 v1, v0;
	v1 =	vmul.f32 v3, v3  }
0x7f: {  	v3 =	vld.idx.msk [tilespmem:v9+s3+$0x0], $0xffff;
	v9 =	vunpack.i.l.bf16.f32 v2  }
0x80: {  	v5 =	vld.idx.msk [tilespmem:v10+s3+$0x0], $0xffff;
	v0 =	vadd.f32 v0, v1;
	v1 =	vmul.f32 v9, v9  }
0x81: {  	v10 =	vld [tilespmem:s31+$0x110];
	v2 =	vunpack.i.u.bf16.f32 v2;
	v4 =	vsub.bf16 v6, v4  }
0x82: {  	v9 =	vld [tilespmem:s31+$0x190];
	v0 =	vadd.f32 v1, v0;
	v1 =	vmul.f32 v2, v2  }
0x83: {  	v2 =	vld.idx.msk [tilespmem:v11+s3+$0x0], $0xffff;
	v11 =	vunpack.i.l.bf16.f32 v4  }
0x84: {  	v6 =	vld.idx.msk [tilespmem:v61+s3+$0x0], $0xffff;
	v0 =	vadd.f32 v0, v1;
	v1 =	vmul.f32 v11, v11  }
0x85: {  	v4 =	vunpack.i.u.bf16.f32 v4;
	v3 =	vsub.bf16 v5, v3;
	v5 =	vld.idx.msk [tilespmem:v8+s3+$0x0], $0xffff  }
0x86: {  	v11 =	vld [tilespmem:s31+$0x1A0];
	v0 =	vadd.f32 v1, v0;
	v1 =	vmul.f32 v4, v4  }
0x87: {  	v4 =	vld.idx.msk [tilespmem:v7+s3+$0x0], $0xffff;
	v7 =	vunpack.i.l.bf16.f32 v3  }
0x88: {  	v8 =	vld [tilespmem:s31+$0x130];
	v0 =	vadd.f32 v0, v1;
	v1 =	vmul.f32 v7, v7  }
0x89: {  	v3 =	vunpack.i.u.bf16.f32 v3;
	v2 =	vsub.bf16 v6, v2;
	v6 =	vld.idx.msk [tilespmem:v10+s3+$0x0], $0xffff  }
0x8a: {  	v7 =	vld [tilespmem:s31+$0x1B0];
	v0 =	vadd.f32 v1, v0;
	v1 =	vmul.f32 v3, v3  }
0x8b: {  	v3 =	vld.idx.msk [tilespmem:v9+s3+$0x0], $0xffff;
	v9 =	vunpack.i.l.bf16.f32 v2  }
0x8c: {  	v10 =	vld [tilespmem:s31+$0x140];
	v0 =	vadd.f32 v0, v1;
	v1 =	vmul.f32 v9, v9  }
0x8d: {  	v63 =	vld [tilespmem:s31+$0x150];
	v2 =	vunpack.i.u.bf16.f32 v2;
	v4 =	vsub.bf16 v5, v4  }
0x8e: {  	v9 =	vld [tilespmem:s31+$0x1C0];
	v0 =	vadd.f32 v1, v0;
	v1 =	vmul.f32 v2, v2  }
0x8f: {  	v2 =	vld.idx.msk [tilespmem:v11+s3+$0x0], $0xffff;
	v11 =	vunpack.i.l.bf16.f32 v4  }
0x90: {  	v5 =	vld.idx.msk [tilespmem:v62+s3+$0x0], $0xffff;
	v0 =	vadd.f32 v0, v1;
	v1 =	vmul.f32 v11, v11  }
0x91: {  	v13 =	vld [tilespmem:s31+$0x1D0];
	v4 =	vunpack.i.u.bf16.f32 v4;
	v3 =	vsub.bf16 v6, v3  }
0x92: {  	v6 =	vld.idx.msk [tilespmem:v8+s3+$0x0], $0xffff;
	v4 =	vmul.f32 v4, v4;
	v1 =	vadd.f32 v1, v0  }
0x93: {  	v7 =	vld.idx.msk [tilespmem:v7+s3+$0x0], $0xffff;
	v8 =	vunpack.i.l.bf16.f32 v3  }
0x94: {  	v11 =	vunpack.i.u.bf16.f32 v3;
	v3 =	vld.idx.msk [tilespmem:v10+s3+$0x0], $0xffff;
	v8 =	vmul.f32 v8, v8;
	v4 =	vadd.f32 v1, v4  }
0x95: {  	v0 =	vld [tilespmem:s31+$0x160];
	v2 =	vsub.bf16 v5, v2  }
0x96: {  	v10 =	vmul.f32 v11, v11;
	v1 =	vld [tilespmem:s31+$0x1E0];
	v8 =	vadd.f32 v8, v4  }
0x97: {  	v5 =	vld.idx.msk [tilespmem:v9+s3+$0x0], $0xffff;
	v9 =	vunpack.i.l.bf16.f32 v2  }
0x98: {  	v4 =	vld [tilespmem:s31+$0x170];
	v9 =	vmul.f32 v9, v9;
	v10 =	vadd.f32 v8, v10  }
0x99: {  	v8 =	vsub.bf16 v6, v7;
	v7 =	vld [tilespmem:s31+$0x1F0];
	v6 =	vunpack.i.u.bf16.f32 v2  }
0x9a: {  	v2 =	vld.idx.msk [tilespmem:v63+s3+$0x0], $0xffff;
	v9 =	vadd.f32 v9, v10;
	v10 =	vmul.f32 v6, v6  }
0x9b: {  	s21 =	simm.s32 $0x18D00;
	s20 =	simm.s32 $0x0;
	v11 =	vunpack.i.l.bf16.f32 v8;
	v6 =	vld.idx.msk [tilespmem:v13+s3+$0x0], $0xffff  }
.LBB2_3:
0x9c: {  	v12 =	vld [tilespmem:s21+$0xFFFFFE00];
	v9 =	vadd.f32 v9, v10;
	v10 =	vmul.f32 v11, v11  }
0x9d: {  	v8 =	vunpack.i.u.bf16.f32 v8;
	v3 =	vsub.bf16 v3, v5;
	v11 =	vld [tilespmem:s21+$0xFFFFFE80]  }
0x9e: {  	v8 =	vmul.f32 v8, v8;
	v5 =	vadd.f32 v10, v9;
	v0 =	vld.idx.msk [tilespmem:v0+s3+$0x0], $0xffff  }
0x9f: {  	s20 =	sadd.s32 $0x4, s20;
	v9 =	vunpack.i.l.bf16.f32 v3;
	v1 =	vld.idx.msk [tilespmem:v1+s3+$0x0], $0xffff  }
0xa0: {  	p0 =	slt.u32 s20, $0x14;
	v10 =	vld [tilespmem:s21+$0xFFFFFE10];
	v5 =	vadd.f32 v5, v8;
	v8 =	vmul.f32 v9, v9  }
0xa1: {  	v3 =	vunpack.i.u.bf16.f32 v3;
	v2 =	vsub.bf16 v2, v6;
	v9 =	vld [tilespmem:s21+$0xFFFFFE90]  }
0xa2: {  	v3 =	vmul.f32 v3, v3;
	v5 =	vadd.f32 v8, v5;
	v4 =	vld.idx.msk [tilespmem:v4+s3+$0x0], $0xffff  }
0xa3: {  	v6 =	vunpack.i.l.bf16.f32 v2;
	v7 =	vld.idx.msk [tilespmem:v7+s3+$0x0], $0xffff  }
0xa4: {  	v8 =	vld [tilespmem:s21+$0xFFFFFE20];
	v3 =	vadd.f32 v5, v3;
	v5 =	vmul.f32 v6, v6  }
0xa5: {  	v2 =	vunpack.i.u.bf16.f32 v2;
	v0 =	vsub.bf16 v0, v1;
	v6 =	vld [tilespmem:s21+$0xFFFFFEA0]  }
0xa6: {  	v2 =	vmul.f32 v2, v2;
	v1 =	vld.idx.msk [tilespmem:v12+s3+$0x0], $0xffff;
	v3 =	vadd.f32 v5, v3  }
0xa7: {  	v5 =	vld.idx.msk [tilespmem:v11+s3+$0x0], $0xffff;
	v11 =	vunpack.i.l.bf16.f32 v0  }
0xa8: {  	v12 =	vld [tilespmem:s21+$0xFFFFFE30];
	v2 =	vadd.f32 v3, v2;
	v3 =	vmul.f32 v11, v11  }
0xa9: {  	v0 =	vunpack.i.u.bf16.f32 v0;
	v4 =	vsub.bf16 v4, v7;
	v11 =	vld [tilespmem:s21+$0xFFFFFEB0]  }
0xaa: {  	v0 =	vmul.f32 v0, v0;
	v7 =	vld.idx.msk [tilespmem:v10+s3+$0x0], $0xffff;
	v2 =	vadd.f32 v3, v2  }
0xab: {  	v3 =	vld.idx.msk [tilespmem:v9+s3+$0x0], $0xffff;
	v9 =	vunpack.i.l.bf16.f32 v4  }
0xac: {  	v10 =	vld [tilespmem:s21+$0xFFFFFE40];
	v0 =	vadd.f32 v2, v0;
	v2 =	vmul.f32 v9, v9  }
0xad: {  	v4 =	vunpack.i.u.bf16.f32 v4;
	v1 =	vsub.bf16 v1, v5;
	v5 =	vld [tilespmem:s21+$0xFFFFFEC0]  }
0xae: {  	v8 =	vld.idx.msk [tilespmem:v8+s3+$0x0], $0xffff;
	v0 =	vadd.f32 v2, v0;
	v2 =	vmul.f32 v4, v4  }
0xaf: {  	v4 =	vunpack.i.l.bf16.f32 v1;
	v6 =	vld.idx.msk [tilespmem:v6+s3+$0x0], $0xffff  }
0xb0: {  	v4 =	vmul.f32 v4, v4;
	v9 =	vld [tilespmem:s21+$0xFFFFFE50];
	v0 =	vadd.f32 v0, v2  }
0xb1: {  	v1 =	vunpack.i.u.bf16.f32 v1;
	v2 =	vsub.bf16 v7, v3;
	v3 =	vld [tilespmem:s21+$0xFFFFFED0]  }
0xb2: {  	v1 =	vmul.f32 v1, v1;
	v0 =	vadd.f32 v4, v0;
	v4 =	vld.idx.msk [tilespmem:v12+s3+$0x0], $0xffff  }
0xb3: {  	v7 =	vunpack.i.l.bf16.f32 v2;
	v11 =	vld.idx.msk [tilespmem:v11+s3+$0x0], $0xffff  }
0xb4: {  	v0 =	vadd.f32 v0, v1;
	v1 =	vmul.f32 v7, v7;
	v7 =	vld [tilespmem:s21+$0xFFFFFE60]  }
0xb5: {  	v2 =	vunpack.i.u.bf16.f32 v2;
	v6 =	vsub.bf16 v8, v6;
	v8 =	vld [tilespmem:s21+$0xFFFFFEE0]  }
0xb6: {  	v0 =	vadd.f32 v1, v0;
	v1 =	vmul.f32 v2, v2;
	v2 =	vld.idx.msk [tilespmem:v10+s3+$0x0], $0xffff  }
0xb7: {  	v10 =	vunpack.i.l.bf16.f32 v6;
	v5 =	vld.idx.msk [tilespmem:v5+s3+$0x0], $0xffff  }
0xb8: {  	v0 =	vadd.f32 v0, v1;
	v1 =	vmul.f32 v10, v10;
	v10 =	vld [tilespmem:s21+$0xFFFFFE70]  }
0xb9: {  	v6 =	vunpack.i.u.bf16.f32 v6;
	v4 =	vsub.bf16 v4, v11;
	v11 =	vld [tilespmem:s21+$0xFFFFFEF0]  }
0xba: {  	v0 =	vadd.f32 v1, v0;
	v1 =	vmul.f32 v6, v6;
	v6 =	vld.idx.msk [tilespmem:v9+s3+$0x0], $0xffff  }
0xbb: {  	v9 =	vunpack.i.l.bf16.f32 v4;
	v3 =	vld.idx.msk [tilespmem:v3+s3+$0x0], $0xffff  }
0xbc: {  	v0 =	vadd.f32 v0, v1;
	v1 =	vmul.f32 v9, v9;
	v9 =	vld [tilespmem:s21+$0xFFFFFF00]  }
0xbd: {  	v4 =	vunpack.i.u.bf16.f32 v4;
	v2 =	vsub.bf16 v2, v5;
	v5 =	vld [tilespmem:s21+$0xFFFFFF80]  }
0xbe: {  	v0 =	vadd.f32 v1, v0;
	v1 =	vmul.f32 v4, v4;
	v4 =	vld.idx.msk [tilespmem:v7+s3+$0x0], $0xffff  }
0xbf: {  	v7 =	vunpack.i.l.bf16.f32 v2;
	v8 =	vld.idx.msk [tilespmem:v8+s3+$0x0], $0xffff  }
0xc0: {  	v0 =	vadd.f32 v0, v1;
	v1 =	vmul.f32 v7, v7;
	v7 =	vld [tilespmem:s21+$0xFFFFFF10]  }
0xc1: {  	v2 =	vunpack.i.u.bf16.f32 v2;
	v3 =	vsub.bf16 v6, v3;
	v6 =	vld [tilespmem:s21+$0xFFFFFF90]  }
0xc2: {  	v0 =	vadd.f32 v1, v0;
	v1 =	vmul.f32 v2, v2;
	v2 =	vld.idx.msk [tilespmem:v10+s3+$0x0], $0xffff  }
0xc3: {  	v10 =	vunpack.i.l.bf16.f32 v3;
	v11 =	vld.idx.msk [tilespmem:v11+s3+$0x0], $0xffff  }
0xc4: {  	v0 =	vadd.f32 v0, v1;
	v1 =	vmul.f32 v10, v10;
	v10 =	vld [tilespmem:s21+$0xFFFFFF20]  }
0xc5: {  	v3 =	vunpack.i.u.bf16.f32 v3;
	v4 =	vsub.bf16 v4, v8;
	v8 =	vld [tilespmem:s21+$0xFFFFFFA0]  }
0xc6: {  	v0 =	vadd.f32 v1, v0;
	v1 =	vmul.f32 v3, v3;
	v3 =	vld.idx.msk [tilespmem:v9+s3+$0x0], $0xffff  }
0xc7: {  	v9 =	vunpack.i.l.bf16.f32 v4;
	v5 =	vld.idx.msk [tilespmem:v5+s3+$0x0], $0xffff  }
0xc8: {  	v0 =	vadd.f32 v0, v1;
	v1 =	vmul.f32 v9, v9;
	v9 =	vld [tilespmem:s21+$0xFFFFFF30]  }
0xc9: {  	v4 =	vunpack.i.u.bf16.f32 v4;
	v2 =	vsub.bf16 v2, v11;
	v11 =	vld [tilespmem:s21+$0xFFFFFFB0]  }
0xca: {  	v0 =	vadd.f32 v1, v0;
	v1 =	vmul.f32 v4, v4;
	v4 =	vld.idx.msk [tilespmem:v7+s3+$0x0], $0xffff  }
0xcb: {  	v7 =	vunpack.i.l.bf16.f32 v2;
	v6 =	vld.idx.msk [tilespmem:v6+s3+$0x0], $0xffff  }
0xcc: {  	v0 =	vadd.f32 v0, v1;
	v1 =	vmul.f32 v7, v7;
	v7 =	vld [tilespmem:s21+$0xFFFFFF40]  }
0xcd: {  	v2 =	vunpack.i.u.bf16.f32 v2;
	v3 =	vsub.bf16 v3, v5;
	v5 =	vld [tilespmem:s21+$0xFFFFFFC0]  }
0xce: {  	v0 =	vadd.f32 v1, v0;
	v1 =	vmul.f32 v2, v2;
	v2 =	vld.idx.msk [tilespmem:v10+s3+$0x0], $0xffff  }
0xcf: {  	v10 =	vunpack.i.l.bf16.f32 v3;
	v8 =	vld.idx.msk [tilespmem:v8+s3+$0x0], $0xffff  }
0xd0: {  	v0 =	vadd.f32 v0, v1;
	v1 =	vmul.f32 v10, v10;
	v10 =	vld [tilespmem:s21+$0xFFFFFF50]  }
0xd1: {  	v3 =	vunpack.i.u.bf16.f32 v3;
	v4 =	vsub.bf16 v4, v6;
	v6 =	vld [tilespmem:s21+$0xFFFFFFD0]  }
0xd2: {  	v0 =	vadd.f32 v1, v0;
	v1 =	vmul.f32 v3, v3;
	v3 =	vld.idx.msk [tilespmem:v9+s3+$0x0], $0xffff  }
0xd3: {  	v9 =	vunpack.i.l.bf16.f32 v4;
	v11 =	vld.idx.msk [tilespmem:v11+s3+$0x0], $0xffff  }
0xd4: {  	v0 =	vadd.f32 v0, v1;
	v1 =	vmul.f32 v9, v9;
	v9 =	vld [tilespmem:s21+$0xFFFFFF60]  }
0xd5: {  	v4 =	vunpack.i.u.bf16.f32 v4;
	v2 =	vsub.bf16 v2, v8;
	v8 =	vld [tilespmem:s21+$0xFFFFFFE0]  }
0xd6: {  	v0 =	vadd.f32 v1, v0;
	v1 =	vmul.f32 v4, v4;
	v4 =	vld.idx.msk [tilespmem:v7+s3+$0x0], $0xffff  }
0xd7: {  	v7 =	vunpack.i.l.bf16.f32 v2;
	v5 =	vld.idx.msk [tilespmem:v5+s3+$0x0], $0xffff  }
0xd8: {  	v0 =	vadd.f32 v0, v1;
	v1 =	vmul.f32 v7, v7;
	v7 =	vld [tilespmem:s21+$0xFFFFFF70]  }
0xd9: {  	v2 =	vunpack.i.u.bf16.f32 v2;
	v3 =	vsub.bf16 v3, v11;
	v11 =	vld [tilespmem:s21+$0xFFFFFFF0]  }
0xda: {  	v0 =	vadd.f32 v1, v0;
	v1 =	vmul.f32 v2, v2;
	v2 =	vld.idx.msk [tilespmem:v10+s3+$0x0], $0xffff  }
0xdb: {  	v10 =	vunpack.i.l.bf16.f32 v3;
	v6 =	vld.idx.msk [tilespmem:v6+s3+$0x0], $0xffff  }
0xdc: {  	v0 =	vadd.f32 v0, v1;
	v1 =	vmul.f32 v10, v10;
	v10 =	vld [tilespmem:s21+$0x0]  }
0xdd: {  	v3 =	vunpack.i.u.bf16.f32 v3;
	v4 =	vsub.bf16 v4, v5;
	v5 =	vld [tilespmem:s21+$0x80]  }
0xde: {  	v0 =	vadd.f32 v1, v0;
	v1 =	vmul.f32 v3, v3;
	v3 =	vld.idx.msk [tilespmem:v9+s3+$0x0], $0xffff  }
0xdf: {  	v9 =	vunpack.i.l.bf16.f32 v4;
	v8 =	vld.idx.msk [tilespmem:v8+s3+$0x0], $0xffff  }
0xe0: {  	v0 =	vadd.f32 v0, v1;
	v1 =	vmul.f32 v9, v9;
	v9 =	vld [tilespmem:s21+$0x10]  }
0xe1: {  	v4 =	vunpack.i.u.bf16.f32 v4;
	v2 =	vsub.bf16 v2, v6;
	v6 =	vld [tilespmem:s21+$0x90]  }
0xe2: {  	v0 =	vadd.f32 v1, v0;
	v1 =	vmul.f32 v4, v4;
	v4 =	vld.idx.msk [tilespmem:v7+s3+$0x0], $0xffff  }
0xe3: {  	v7 =	vunpack.i.l.bf16.f32 v2;
	v11 =	vld.idx.msk [tilespmem:v11+s3+$0x0], $0xffff  }
0xe4: {  	v0 =	vadd.f32 v0, v1;
	v1 =	vmul.f32 v7, v7;
	v7 =	vld [tilespmem:s21+$0x20]  }
0xe5: {  	v2 =	vunpack.i.u.bf16.f32 v2;
	v3 =	vsub.bf16 v3, v8;
	v8 =	vld [tilespmem:s21+$0xA0]  }
0xe6: {  	v0 =	vadd.f32 v1, v0;
	v1 =	vmul.f32 v2, v2;
	v2 =	vld.idx.msk [tilespmem:v10+s3+$0x0], $0xffff  }
0xe7: {  	v10 =	vunpack.i.l.bf16.f32 v3;
	v5 =	vld.idx.msk [tilespmem:v5+s3+$0x0], $0xffff  }
0xe8: {  	v0 =	vadd.f32 v0, v1;
	v1 =	vmul.f32 v10, v10;
	v10 =	vld [tilespmem:s21+$0x30]  }
0xe9: {  	v3 =	vunpack.i.u.bf16.f32 v3;
	v4 =	vsub.bf16 v4, v11;
	v11 =	vld [tilespmem:s21+$0xB0]  }
0xea: {  	v0 =	vadd.f32 v1, v0;
	v1 =	vmul.f32 v3, v3;
	v3 =	vld.idx.msk [tilespmem:v9+s3+$0x0], $0xffff  }
0xeb: {  	v9 =	vunpack.i.l.bf16.f32 v4;
	v6 =	vld.idx.msk [tilespmem:v6+s3+$0x0], $0xffff  }
0xec: {  	v0 =	vadd.f32 v0, v1;
	v1 =	vmul.f32 v9, v9;
	v9 =	vld [tilespmem:s21+$0x40]  }
0xed: {  	v4 =	vunpack.i.u.bf16.f32 v4;
	v2 =	vsub.bf16 v2, v5;
	v5 =	vld [tilespmem:s21+$0xC0]  }
0xee: {  	v0 =	vadd.f32 v1, v0;
	v1 =	vmul.f32 v4, v4;
	v4 =	vld.idx.msk [tilespmem:v7+s3+$0x0], $0xffff  }
0xef: {  	v7 =	vunpack.i.l.bf16.f32 v2;
	v8 =	vld.idx.msk [tilespmem:v8+s3+$0x0], $0xffff  }
0xf0: {  	v0 =	vadd.f32 v0, v1;
	v1 =	vmul.f32 v7, v7;
	v7 =	vld [tilespmem:s21+$0x50]  }
0xf1: {  	v2 =	vunpack.i.u.bf16.f32 v2;
	v3 =	vsub.bf16 v3, v6;
	v6 =	vld [tilespmem:s21+$0xD0]  }
0xf2: {  	v0 =	vadd.f32 v1, v0;
	v1 =	vmul.f32 v2, v2;
	v2 =	vld.idx.msk [tilespmem:v10+s3+$0x0], $0xffff  }
0xf3: {  	v10 =	vunpack.i.l.bf16.f32 v3;
	v11 =	vld.idx.msk [tilespmem:v11+s3+$0x0], $0xffff  }
0xf4: {  	v0 =	vadd.f32 v0, v1;
	v1 =	vmul.f32 v10, v10;
	v10 =	vld [tilespmem:s21+$0x60]  }
0xf5: {  	v3 =	vunpack.i.u.bf16.f32 v3;
	v4 =	vsub.bf16 v4, v8;
	v8 =	vld [tilespmem:s21+$0xE0]  }
0xf6: {  	v0 =	vadd.f32 v1, v0;
	v1 =	vmul.f32 v3, v3;
	v3 =	vld.idx.msk [tilespmem:v9+s3+$0x0], $0xffff  }
0xf7: {  	v9 =	vunpack.i.l.bf16.f32 v4;
	v5 =	vld.idx.msk [tilespmem:v5+s3+$0x0], $0xffff  }
0xf8: {  	v0 =	vadd.f32 v0, v1;
	v1 =	vmul.f32 v9, v9;
	v9 =	vld [tilespmem:s21+$0x70]  }
0xf9: {  	v4 =	vunpack.i.u.bf16.f32 v4;
	v2 =	vsub.bf16 v2, v11;
	v11 =	vld [tilespmem:s21+$0xF0]  }
0xfa: {  	v0 =	vadd.f32 v1, v0;
	v1 =	vmul.f32 v4, v4;
	v4 =	vld.idx.msk [tilespmem:v7+s3+$0x0], $0xffff  }
0xfb: {  	v7 =	vunpack.i.l.bf16.f32 v2;
	v6 =	vld.idx.msk [tilespmem:v6+s3+$0x0], $0xffff  }
0xfc: {  	v0 =	vadd.f32 v0, v1;
	v1 =	vmul.f32 v7, v7;
	v7 =	vld [tilespmem:s21+$0x100]  }
0xfd: {  	v2 =	vunpack.i.u.bf16.f32 v2;
	v3 =	vsub.bf16 v3, v5;
	v5 =	vld [tilespmem:s21+$0x180]  }
0xfe: {  	v0 =	vadd.f32 v1, v0;
	v1 =	vmul.f32 v2, v2;
	v2 =	vld.idx.msk [tilespmem:v10+s3+$0x0], $0xffff  }
0xff: {  	v10 =	vunpack.i.l.bf16.f32 v3;
	v8 =	vld.idx.msk [tilespmem:v8+s3+$0x0], $0xffff  }
0x100: {  	v0 =	vadd.f32 v0, v1;
	v1 =	vmul.f32 v10, v10;
	v10 =	vld [tilespmem:s21+$0x110]  }
0x101: {  	v3 =	vunpack.i.u.bf16.f32 v3;
	v4 =	vsub.bf16 v4, v6;
	v6 =	vld [tilespmem:s21+$0x190]  }
0x102: {  	v0 =	vadd.f32 v1, v0;
	v1 =	vmul.f32 v3, v3;
	v3 =	vld.idx.msk [tilespmem:v9+s3+$0x0], $0xffff  }
0x103: {  	v9 =	vunpack.i.l.bf16.f32 v4;
	v11 =	vld.idx.msk [tilespmem:v11+s3+$0x0], $0xffff  }
0x104: {  	v0 =	vadd.f32 v0, v1;
	v1 =	vmul.f32 v9, v9;
	v9 =	vld [tilespmem:s21+$0x120]  }
0x105: {  	v4 =	vunpack.i.u.bf16.f32 v4;
	v2 =	vsub.bf16 v2, v8;
	v8 =	vld [tilespmem:s21+$0x1A0]  }
0x106: {  	v0 =	vadd.f32 v1, v0;
	v1 =	vmul.f32 v4, v4;
	v4 =	vld.idx.msk [tilespmem:v7+s3+$0x0], $0xffff  }
0x107: {  	v7 =	vunpack.i.l.bf16.f32 v2;
	v5 =	vld.idx.msk [tilespmem:v5+s3+$0x0], $0xffff  }
0x108: {  	v0 =	vadd.f32 v0, v1;
	v1 =	vmul.f32 v7, v7;
	v7 =	vld [tilespmem:s21+$0x130]  }
0x109: {  	v2 =	vunpack.i.u.bf16.f32 v2;
	v3 =	vsub.bf16 v3, v11;
	v11 =	vld [tilespmem:s21+$0x1B0]  }
0x10a: {  	v0 =	vadd.f32 v1, v0;
	v1 =	vmul.f32 v2, v2;
	v2 =	vld.idx.msk [tilespmem:v10+s3+$0x0], $0xffff  }
0x10b: {  	v10 =	vunpack.i.l.bf16.f32 v3;
	v6 =	vld.idx.msk [tilespmem:v6+s3+$0x0], $0xffff  }
0x10c: {  	v0 =	vadd.f32 v0, v1;
	v1 =	vmul.f32 v10, v10;
	v10 =	vld [tilespmem:s21+$0x140]  }
0x10d: {  	v3 =	vunpack.i.u.bf16.f32 v3;
	v4 =	vsub.bf16 v4, v5;
	v5 =	vld [tilespmem:s21+$0x1C0]  }
0x10e: {  	v0 =	vadd.f32 v1, v0;
	v1 =	vmul.f32 v3, v3;
	v3 =	vld.idx.msk [tilespmem:v9+s3+$0x0], $0xffff  }
0x10f: {  	v9 =	vunpack.i.l.bf16.f32 v4;
	v8 =	vld.idx.msk [tilespmem:v8+s3+$0x0], $0xffff  }
0x110: {  	v0 =	vadd.f32 v0, v1;
	v1 =	vmul.f32 v9, v9;
	v12 =	vld [tilespmem:s21+$0x150]  }
0x111: {  	v4 =	vunpack.i.u.bf16.f32 v4;
	v2 =	vsub.bf16 v2, v6;
	v6 =	vld [tilespmem:s21+$0x1D0]  }
0x112: {  	v0 =	vadd.f32 v1, v0;
	v1 =	vmul.f32 v4, v4;
	v7 =	vld.idx.msk [tilespmem:v7+s3+$0x0], $0xffff  }
0x113: {  	v4 =	vunpack.i.l.bf16.f32 v2;
	v9 =	vld.idx.msk [tilespmem:v11+s3+$0x0], $0xffff  }
0x114: {  	v4 =	vmul.f32 v4, v4;
	v11 =	vadd.f32 v0, v1;
	v0 =	vld [tilespmem:s21+$0x160]  }
0x115: {  	v2 =	vunpack.i.u.bf16.f32 v2;
	v8 =	vsub.bf16 v3, v8;
	v1 =	vld [tilespmem:s21+$0x1E0]  }
0x116: {  	v2 =	vmul.f32 v2, v2;
	v4 =	vadd.f32 v4, v11;
	v3 =	vld.idx.msk [tilespmem:v10+s3+$0x0], $0xffff  }
.Ltmp0:
0x117: {  	v10 =	vunpack.i.l.bf16.f32 v8;
	v5 =	vld.idx.msk [tilespmem:v5+s3+$0x0], $0xffff;
	(pc) =	sbr.rel @p0 .LBB2_3-.Ltmp0, $4  }
0x118: {  	v10 =	vmul.f32 v10, v10;
	v2 =	vadd.f32 v4, v2;
	v4 =	vld [tilespmem:s21+$0x170]  }
0x119: {  	v11 =	vunpack.i.u.bf16.f32 v8;
	v8 =	vsub.bf16 v7, v9;
	v7 =	vld [tilespmem:s21+$0x1F0]  }
0x11a: {  	v9 =	vadd.f32 v10, v2;
	v10 =	vmul.f32 v11, v11;
	v2 =	vld.idx.msk [tilespmem:v12+s3+$0x0], $0xffff  }
0x11b: {  	s21 =	sadd.s32 $0x400, s21;
	v11 =	vunpack.i.l.bf16.f32 v8;
	v6 =	vld.idx.msk [tilespmem:v6+s3+$0x0], $0xffff  }
0x11c: {  	_ =	sdelay $0x3  }
0x11d: {  	v0 =	vld.idx.msk [tilespmem:v0+s3+$0x0], $0xffff  }
0x11e: {  	v1 =	vld.idx.msk [tilespmem:v1+s3+$0x0], $0xffff  }
0x11f: {  	v12 =	vld [tilespmem:$0x19F00]  }
0x120: {  	v13 =	vld [tilespmem:$0x19F80]  }
0x121: {  	v14 =	vld [tilespmem:$0x19F10]  }
0x122: {  	v15 =	vld [tilespmem:$0x19F90]  }
0x123: {  	v16 =	vld [tilespmem:$0x19F20]  }
0x124: {  	v17 =	vld [tilespmem:$0x19FA0];
	v9 =	vadd.f32 v9, v10;
	v10 =	vmul.f32 v11, v11  }
0x125: {  	v11 =	vld [tilespmem:$0x19F30];
	v8 =	vunpack.i.u.bf16.f32 v8;
	v3 =	vsub.bf16 v3, v5  }
0x126: {  	v5 =	vld [tilespmem:$0x19FB0];
	v8 =	vmul.f32 v8, v8;
	v9 =	vadd.f32 v10, v9  }
0x127: {  	v46 =	vld [tilespmem:$0x19FC0];
	v42 =	vunpack.i.l.bf16.f32 v3  }
0x128: {  	v48 =	vld [tilespmem:$0x19FE0];
	v8 =	vadd.f32 v9, v8;
	v9 =	vmul.f32 v42, v42  }
0x129: {  	v49 =	vld [tilespmem:$0x19F70];
	v3 =	vunpack.i.u.bf16.f32 v3;
	v2 =	vsub.bf16 v2, v6  }
0x12a: {  	v50 =	vld [tilespmem:$0x19FF0];
	v3 =	vmul.f32 v3, v3;
	v8 =	vadd.f32 v9, v8  }
0x12b: {  	v4 =	vld.idx.msk [tilespmem:v4+s3+$0x0], $0xffff;
	v44 =	vunpack.i.l.bf16.f32 v2  }
0x12c: {  	v7 =	vld.idx.msk [tilespmem:v7+s3+$0x0], $0xffff;
	v3 =	vadd.f32 v8, v3;
	v8 =	vmul.f32 v44, v44  }
0x12d: {  	v0 =	vsub.bf16 v0, v1;
	v2 =	vunpack.i.u.bf16.f32 v2;
	v10 =	vld.idx.msk [tilespmem:v12+s3+$0x0], $0xffff  }
0x12e: {  	v2 =	vmul.f32 v2, v2;
	v1 =	vld.idx.msk [tilespmem:v5+s3+$0x0], $0xffff;
	v3 =	vadd.f32 v8, v3  }
0x12f: {  	v5 =	vld [tilespmem:$0x19F40];
	v8 =	vunpack.i.l.bf16.f32 v0  }
0x130: {  	v13 =	vld.idx.msk [tilespmem:v13+s3+$0x0], $0xffff;
	v2 =	vadd.f32 v3, v2;
	v3 =	vmul.f32 v8, v8  }
0x131: {  	v4 =	vsub.bf16 v4, v7;
	v0 =	vunpack.i.u.bf16.f32 v0;
	v8 =	vld [tilespmem:$0x19F50]  }
0x132: {  	v7 =	vld [tilespmem:$0x19FD0];
	v0 =	vmul.f32 v0, v0;
	v2 =	vadd.f32 v3, v2  }
0x133: {  	v43 =	vld.idx.msk [tilespmem:v14+s3+$0x0], $0xffff;
	v47 =	vunpack.i.l.bf16.f32 v4  }
0x134: {  	v6 =	vld.idx.msk [tilespmem:v15+s3+$0x0], $0xffff;
	v0 =	vadd.f32 v2, v0;
	v2 =	vmul.f32 v47, v47  }
0x135: {  	v9 =	vld.idx.msk [tilespmem:v16+s3+$0x0], $0xffff;
	v4 =	vunpack.i.u.bf16.f32 v4;
	v10 =	vsub.bf16 v10, v13  }
0x136: {  	v3 =	vld [tilespmem:$0x19F60];
	v0 =	vadd.f32 v2, v0;
	v2 =	vmul.f32 v4, v4  }
0x137: {  	v4 =	vld.idx.msk [tilespmem:v5+s3+$0x0], $0xffff;
	v5 =	vunpack.i.l.bf16.f32 v10  }
0x138: {  	v45 =	vld.idx.msk [tilespmem:v17+s3+$0x0], $0xffff;
	v0 =	vadd.f32 v0, v2;
	v2 =	vmul.f32 v5, v5  }
0x139: {  	s20 =	sshll.u32 s19, $0x1;
	v6 =	vsub.bf16 v43, v6;
	v5 =	vld.idx.msk [tilespmem:v8+s3+$0x0], $0xffff;
	v8 =	vunpack.i.u.bf16.f32 v10  }
0x13a: {  	p0 =	seq.s32 s19, $0x1E;
	s20 =	sadd.s32 $0x2, s20;
	v11 =	vld.idx.msk [tilespmem:v11+s3+$0x0], $0xffff;
	v0 =	vadd.f32 v2, v0;
	v2 =	vmul.f32 v8, v8  }
0x13b: {  	s21 =	smul.u32 @!p0 $0x1900, s20;
	v14 =	vld.idx.msk [tilespmem:v46+s3+$0x0], $0xffff;
	v8 =	vunpack.i.l.bf16.f32 v6  }
0x13c: {  	v51 =	vld.idx.msk [tilespmem:v50+s3+$0x0], $0xffff;
	v0 =	vadd.f32 v0, v2;
	v2 =	vmul.f32 v8, v8  }
0x13d: {  	s21 =	sadd.s32 @!p0 s5, s21;
	v9 =	vsub.bf16 v9, v45;
	v7 =	vld.idx.msk [tilespmem:v7+s3+$0x0], $0xffff;
	v6 =	vunpack.i.u.bf16.f32 v6  }
0x13e: {  	s21 =	sshrl.u32 @!p0 s21, $0x3;
	v10 =	vld.idx.msk [tilespmem:v48+s3+$0x0], $0xffff;
	v0 =	vadd.f32 v2, v0;
	v2 =	vmul.f32 v6, v6  }
0x13f: {  	s22 =	simm.s32 @!p0 $0x0;
	s23 =	simm.s32 @!p0 $0x18700;
	s21 =	sadd.s32 @!p0 s2, s21;
	v3 =	vld.idx.msk [tilespmem:v3+s3+$0x0], $0xffff;
	v6 =	vunpack.i.l.bf16.f32 v9  }
0x140: {  	v8 =	vld.idx.msk [tilespmem:v49+s3+$0x0], $0xffff;
	[tilespmem:s23], [sflag:$0x2] =	stream.linear.gather @!p0 [hbm4b:s21+s22], $0x1900, $0x38;
	v0 =	vadd.f32 v0, v2;
	v2 =	vmul.f32 v6, v6  }
0x141: {  	v1 =	vsub.bf16 v11, v1;
	p0 =	sne.s32 s20, $0x3E;
	v6 =	vunpack.i.u.bf16.f32 v9  }
0x142: {  	s20 =	simm.s32 @!p0 $0x0;
	s21 =	simm.s32 @!p0 $0x18700;
	v0 =	vadd.f32 v2, v0;
	v2 =	vmul.f32 v6, v6  }
0x143: {  	[tilespmem:s21], [sflag:$0x2] =	stream.linear.gather @!p0 [hbm4b:s8+s20], $0xD00, $0x38;
	v6 =	vunpack.i.l.bf16.f32 v1;
	[tilespmem:$0x1B980] =	vst v63  }
0x144: {  	_ =	swait.ge [sflag:s15], $0x1900;
	v0 =	vadd.f32 v0, v2;
	v2 =	vmul.f32 v6, v6  }
0x145: {  	v4 =	vsub.bf16 v4, v14;
	[sflag:s15] =	ssyncset.done $0x0;
	v1 =	vunpack.i.u.bf16.f32 v1  }
0x146: {  	s31 =	simm.s32 $0x1A200;
	[sflag:s15] =	ssyncadd.s32 $0xFFFFE700;
	v1 =	vmul.f32 v1, v1;
	v0 =	vadd.f32 v2, v0  }
0x147: {  	v9 =	vunpack.i.l.bf16.f32 v4;
	v6 =	vld [tilespmem:s31+$0xFFFFFE00]  }
0x148: {  	v2 =	vld [tilespmem:s31+$0xFFFFFE80];
	v0 =	vadd.f32 v0, v1;
	v1 =	vmul.f32 v9, v9  }
0x149: {  	v5 =	vsub.bf16 v5, v7;
	v4 =	vunpack.i.u.bf16.f32 v4  }
0x14a: {  	v7 =	vld [tilespmem:s31+$0xFFFFFE10];
	v0 =	vadd.f32 v1, v0;
	v1 =	vmul.f32 v4, v4  }
0x14b: {  	v9 =	vunpack.i.l.bf16.f32 v5;
	v4 =	vld [tilespmem:s31+$0xFFFFFE90]  }
0x14c: {  	v11 =	vld [tilespmem:s31+$0xFFFFFE20];
	v0 =	vadd.f32 v0, v1;
	v1 =	vmul.f32 v9, v9  }
0x14d: {  	v3 =	vsub.bf16 v3, v10;
	v10 =	vld [tilespmem:s31+$0xFFFFFE30];
	v5 =	vunpack.i.u.bf16.f32 v5  }
0x14e: {  	v9 =	vld [tilespmem:s31+$0xFFFFFEA0];
	v0 =	vadd.f32 v1, v0;
	v1 =	vmul.f32 v5, v5  }
0x14f: {  	v6 =	vld.idx.msk [tilespmem:v6+s3+$0x0], $0xffff;
	v5 =	vunpack.i.l.bf16.f32 v3  }
0x150: {  	v2 =	vld.idx.msk [tilespmem:v2+s3+$0x0], $0xffff;
	v0 =	vadd.f32 v0, v1;
	v1 =	vmul.f32 v5, v5  }
0x151: {  	v8 =	vsub.bf16 v8, v51;
	v52 =	vld [tilespmem:s31+$0xFFFFFE40];
	v3 =	vunpack.i.u.bf16.f32 v3  }
0x152: {  	v5 =	vld [tilespmem:s31+$0xFFFFFEB0];
	v0 =	vadd.f32 v1, v0;
	v1 =	vmul.f32 v3, v3  }
0x153: {  	v3 =	vld.idx.msk [tilespmem:v4+s3+$0x0], $0xffff;
	v4 =	vunpack.i.l.bf16.f32 v8  }
0x154: {  	v7 =	vld.idx.msk [tilespmem:v7+s3+$0x0], $0xffff;
	v0 =	vadd.f32 v0, v1;
	v1 =	vmul.f32 v4, v4  }
0x155: {  	v53 =	vld [tilespmem:s31+$0xFFFFFE70];
	v8 =	vunpack.i.u.bf16.f32 v8;
	v2 =	vsub.bf16 v6, v2  }
0x156: {  	v4 =	vld [tilespmem:s31+$0xFFFFFEC0];
	v0 =	vadd.f32 v1, v0;
	v1 =	vmul.f32 v8, v8  }
0x157: {  	v8 =	vld.idx.msk [tilespmem:v9+s3+$0x0], $0xffff;
	v9 =	vunpack.i.l.bf16.f32 v2  }
0x158: {  	v6 =	vld.idx.msk [tilespmem:v11+s3+$0x0], $0xffff;
	v0 =	vadd.f32 v0, v1;
	v1 =	vmul.f32 v9, v9  }
0x159: {  	v11 =	vld [tilespmem:s31+$0xFFFFFE50];
	v2 =	vunpack.i.u.bf16.f32 v2;
	v3 =	vsub.bf16 v7, v3  }
0x15a: {  	v9 =	vld [tilespmem:s31+$0xFFFFFED0];
	v0 =	vadd.f32 v1, v0;
	v1 =	vmul.f32 v2, v2  }
0x15b: {  	v2 =	vld.idx.msk [tilespmem:v5+s3+$0x0], $0xffff;
	v5 =	vunpack.i.l.bf16.f32 v3  }
0x15c: {  	v7 =	vld.idx.msk [tilespmem:v10+s3+$0x0], $0xffff;
	v0 =	vadd.f32 v0, v1;
	v1 =	vmul.f32 v5, v5  }
0x15d: {  	v10 =	vld [tilespmem:s31+$0xFFFFFE60];
	v3 =	vunpack.i.u.bf16.f32 v3;
	v6 =	vsub.bf16 v6, v8  }
0x15e: {  	v5 =	vld [tilespmem:s31+$0xFFFFFEE0];
	v0 =	vadd.f32 v1, v0;
	v1 =	vmul.f32 v3, v3  }
0x15f: {  	v3 =	vld.idx.msk [tilespmem:v4+s3+$0x0], $0xffff;
	v4 =	vunpack.i.l.bf16.f32 v6  }
0x160: {  	v8 =	vld.idx.msk [tilespmem:v52+s3+$0x0], $0xffff;
	v0 =	vadd.f32 v0, v1;
	v1 =	vmul.f32 v4, v4  }
0x161: {  	v54 =	vld [tilespmem:s31+$0xFFFFFF20];
	v6 =	vunpack.i.u.bf16.f32 v6;
	v2 =	vsub.bf16 v7, v2  }
0x162: {  	v4 =	vld [tilespmem:s31+$0xFFFFFEF0];
	v0 =	vadd.f32 v1, v0;
	v1 =	vmul.f32 v6, v6  }
0x163: {  	v6 =	vld.idx.msk [tilespmem:v9+s3+$0x0], $0xffff;
	v9 =	vunpack.i.l.bf16.f32 v2  }
0x164: {  	v7 =	vld.idx.msk [tilespmem:v11+s3+$0x0], $0xffff;
	v0 =	vadd.f32 v0, v1;
	v1 =	vmul.f32 v9, v9  }
0x165: {  	v11 =	vld [tilespmem:s31+$0xFFFFFF00];
	v2 =	vunpack.i.u.bf16.f32 v2;
	v3 =	vsub.bf16 v8, v3  }
0x166: {  	v9 =	vld [tilespmem:s31+$0xFFFFFF80];
	v0 =	vadd.f32 v1, v0;
	v1 =	vmul.f32 v2, v2  }
0x167: {  	v2 =	vld.idx.msk [tilespmem:v5+s3+$0x0], $0xffff;
	v5 =	vunpack.i.l.bf16.f32 v3  }
0x168: {  	v8 =	vld.idx.msk [tilespmem:v10+s3+$0x0], $0xffff;
	v0 =	vadd.f32 v0, v1;
	v1 =	vmul.f32 v5, v5  }
0x169: {  	v10 =	vld [tilespmem:s31+$0xFFFFFF10];
	v3 =	vunpack.i.u.bf16.f32 v3;
	v6 =	vsub.bf16 v7, v6  }
0x16a: {  	v5 =	vld [tilespmem:s31+$0xFFFFFF90];
	v0 =	vadd.f32 v1, v0;
	v1 =	vmul.f32 v3, v3  }
0x16b: {  	v3 =	vld.idx.msk [tilespmem:v4+s3+$0x0], $0xffff;
	v4 =	vunpack.i.l.bf16.f32 v6  }
0x16c: {  	v7 =	vld.idx.msk [tilespmem:v53+s3+$0x0], $0xffff;
	v0 =	vadd.f32 v0, v1;
	v1 =	vmul.f32 v4, v4  }
0x16d: {  	v55 =	vld [tilespmem:s31+$0xFFFFFF50];
	v6 =	vunpack.i.u.bf16.f32 v6;
	v2 =	vsub.bf16 v8, v2  }
0x16e: {  	v4 =	vld [tilespmem:s31+$0xFFFFFFA0];
	v0 =	vadd.f32 v1, v0;
	v1 =	vmul.f32 v6, v6  }
0x16f: {  	v6 =	vld.idx.msk [tilespmem:v9+s3+$0x0], $0xffff;
	v9 =	vunpack.i.l.bf16.f32 v2  }
0x170: {  	v8 =	vld.idx.msk [tilespmem:v11+s3+$0x0], $0xffff;
	v0 =	vadd.f32 v0, v1;
	v1 =	vmul.f32 v9, v9  }
0x171: {  	v11 =	vld [tilespmem:s31+$0xFFFFFF30];
	v2 =	vunpack.i.u.bf16.f32 v2;
	v3 =	vsub.bf16 v7, v3  }
0x172: {  	v9 =	vld [tilespmem:s31+$0xFFFFFFB0];
	v0 =	vadd.f32 v1, v0;
	v1 =	vmul.f32 v2, v2  }
0x173: {  	v2 =	vld.idx.msk [tilespmem:v5+s3+$0x0], $0xffff;
	v5 =	vunpack.i.l.bf16.f32 v3  }
0x174: {  	v7 =	vld.idx.msk [tilespmem:v10+s3+$0x0], $0xffff;
	v0 =	vadd.f32 v0, v1;
	v1 =	vmul.f32 v5, v5  }
0x175: {  	v10 =	vld [tilespmem:s31+$0xFFFFFF40];
	v3 =	vunpack.i.u.bf16.f32 v3;
	v6 =	vsub.bf16 v8, v6  }
0x176: {  	v5 =	vld [tilespmem:s31+$0xFFFFFFC0];
	v0 =	vadd.f32 v1, v0;
	v1 =	vmul.f32 v3, v3  }
0x177: {  	v3 =	vld.idx.msk [tilespmem:v4+s3+$0x0], $0xffff;
	v4 =	vunpack.i.l.bf16.f32 v6  }
0x178: {  	v8 =	vld.idx.msk [tilespmem:v54+s3+$0x0], $0xffff;
	v0 =	vadd.f32 v0, v1;
	v1 =	vmul.f32 v4, v4  }
0x179: {  	v56 =	vld [tilespmem:s31+$0x0];
	v6 =	vunpack.i.u.bf16.f32 v6;
	v2 =	vsub.bf16 v7, v2  }
0x17a: {  	v4 =	vld [tilespmem:s31+$0xFFFFFFD0];
	v0 =	vadd.f32 v1, v0;
	v1 =	vmul.f32 v6, v6  }
0x17b: {  	v6 =	vld.idx.msk [tilespmem:v9+s3+$0x0], $0xffff;
	v9 =	vunpack.i.l.bf16.f32 v2  }
0x17c: {  	v7 =	vld.idx.msk [tilespmem:v11+s3+$0x0], $0xffff;
	v0 =	vadd.f32 v0, v1;
	v1 =	vmul.f32 v9, v9  }
0x17d: {  	v11 =	vld [tilespmem:s31+$0xFFFFFF60];
	v2 =	vunpack.i.u.bf16.f32 v2;
	v3 =	vsub.bf16 v8, v3  }
0x17e: {  	v9 =	vld [tilespmem:s31+$0xFFFFFFE0];
	v0 =	vadd.f32 v1, v0;
	v1 =	vmul.f32 v2, v2  }
0x17f: {  	v2 =	vld.idx.msk [tilespmem:v5+s3+$0x0], $0xffff;
	v5 =	vunpack.i.l.bf16.f32 v3  }
0x180: {  	v8 =	vld.idx.msk [tilespmem:v10+s3+$0x0], $0xffff;
	v0 =	vadd.f32 v0, v1;
	v1 =	vmul.f32 v5, v5  }
0x181: {  	v10 =	vld [tilespmem:s31+$0xFFFFFF70];
	v3 =	vunpack.i.u.bf16.f32 v3;
	v6 =	vsub.bf16 v7, v6  }
0x182: {  	v5 =	vld [tilespmem:s31+$0xFFFFFFF0];
	v0 =	vadd.f32 v1, v0;
	v1 =	vmul.f32 v3, v3  }
0x183: {  	v3 =	vld.idx.msk [tilespmem:v4+s3+$0x0], $0xffff;
	v4 =	vunpack.i.l.bf16.f32 v6  }
0x184: {  	v7 =	vld.idx.msk [tilespmem:v55+s3+$0x0], $0xffff;
	v0 =	vadd.f32 v0, v1;
	v1 =	vmul.f32 v4, v4  }
0x185: {  	v57 =	vld [tilespmem:s31+$0x30];
	v6 =	vunpack.i.u.bf16.f32 v6;
	v2 =	vsub.bf16 v8, v2  }
0x186: {  	v4 =	vld [tilespmem:s31+$0x80];
	v0 =	vadd.f32 v1, v0;
	v1 =	vmul.f32 v6, v6  }
0x187: {  	v6 =	vld.idx.msk [tilespmem:v9+s3+$0x0], $0xffff;
	v9 =	vunpack.i.l.bf16.f32 v2  }
0x188: {  	v8 =	vld.idx.msk [tilespmem:v11+s3+$0x0], $0xffff;
	v0 =	vadd.f32 v0, v1;
	v1 =	vmul.f32 v9, v9  }
0x189: {  	v11 =	vld [tilespmem:s31+$0x10];
	v2 =	vunpack.i.u.bf16.f32 v2;
	v3 =	vsub.bf16 v7, v3  }
0x18a: {  	v9 =	vld [tilespmem:s31+$0x90];
	v0 =	vadd.f32 v1, v0;
	v1 =	vmul.f32 v2, v2  }
0x18b: {  	v2 =	vld.idx.msk [tilespmem:v5+s3+$0x0], $0xffff;
	v5 =	vunpack.i.l.bf16.f32 v3  }
0x18c: {  	v7 =	vld.idx.msk [tilespmem:v10+s3+$0x0], $0xffff;
	v0 =	vadd.f32 v0, v1;
	v1 =	vmul.f32 v5, v5  }
0x18d: {  	v10 =	vld [tilespmem:s31+$0x20];
	v3 =	vunpack.i.u.bf16.f32 v3;
	v6 =	vsub.bf16 v8, v6  }
0x18e: {  	v5 =	vld [tilespmem:s31+$0xA0];
	v0 =	vadd.f32 v1, v0;
	v1 =	vmul.f32 v3, v3  }
0x18f: {  	v3 =	vld.idx.msk [tilespmem:v4+s3+$0x0], $0xffff;
	v4 =	vunpack.i.l.bf16.f32 v6  }
0x190: {  	v8 =	vld.idx.msk [tilespmem:v56+s3+$0x0], $0xffff;
	v0 =	vadd.f32 v0, v1;
	v1 =	vmul.f32 v4, v4  }
0x191: {  	v58 =	vld [tilespmem:s31+$0x60];
	v6 =	vunpack.i.u.bf16.f32 v6;
	v2 =	vsub.bf16 v7, v2  }
0x192: {  	v4 =	vld [tilespmem:s31+$0xB0];
	v0 =	vadd.f32 v1, v0;
	v1 =	vmul.f32 v6, v6  }
0x193: {  	v6 =	vld.idx.msk [tilespmem:v9+s3+$0x0], $0xffff;
	v9 =	vunpack.i.l.bf16.f32 v2  }
0x194: {  	v7 =	vld.idx.msk [tilespmem:v11+s3+$0x0], $0xffff;
	v0 =	vadd.f32 v0, v1;
	v1 =	vmul.f32 v9, v9  }
0x195: {  	v11 =	vld [tilespmem:s31+$0x40];
	v2 =	vunpack.i.u.bf16.f32 v2;
	v3 =	vsub.bf16 v8, v3  }
0x196: {  	v9 =	vld [tilespmem:s31+$0xC0];
	v0 =	vadd.f32 v1, v0;
	v1 =	vmul.f32 v2, v2  }
0x197: {  	v2 =	vld.idx.msk [tilespmem:v5+s3+$0x0], $0xffff;
	v5 =	vunpack.i.l.bf16.f32 v3  }
0x198: {  	v8 =	vld.idx.msk [tilespmem:v10+s3+$0x0], $0xffff;
	v0 =	vadd.f32 v0, v1;
	v1 =	vmul.f32 v5, v5  }
0x199: {  	v10 =	vld [tilespmem:s31+$0x50];
	v3 =	vunpack.i.u.bf16.f32 v3;
	v6 =	vsub.bf16 v7, v6  }
0x19a: {  	v5 =	vld [tilespmem:s31+$0xD0];
	v0 =	vadd.f32 v1, v0;
	v1 =	vmul.f32 v3, v3  }
0x19b: {  	v3 =	vld.idx.msk [tilespmem:v4+s3+$0x0], $0xffff;
	v4 =	vunpack.i.l.bf16.f32 v6  }
0x19c: {  	v7 =	vld.idx.msk [tilespmem:v57+s3+$0x0], $0xffff;
	v0 =	vadd.f32 v0, v1;
	v1 =	vmul.f32 v4, v4  }
0x19d: {  	v59 =	vld [tilespmem:s31+$0x110];
	v6 =	vunpack.i.u.bf16.f32 v6;
	v2 =	vsub.bf16 v8, v2  }
0x19e: {  	v4 =	vld [tilespmem:s31+$0xE0];
	v0 =	vadd.f32 v1, v0;
	v1 =	vmul.f32 v6, v6  }
0x19f: {  	v6 =	vld.idx.msk [tilespmem:v9+s3+$0x0], $0xffff;
	v9 =	vunpack.i.l.bf16.f32 v2  }
0x1a0: {  	v8 =	vld.idx.msk [tilespmem:v11+s3+$0x0], $0xffff;
	v0 =	vadd.f32 v0, v1;
	v1 =	vmul.f32 v9, v9  }
0x1a1: {  	v11 =	vld [tilespmem:s31+$0x70];
	v2 =	vunpack.i.u.bf16.f32 v2;
	v3 =	vsub.bf16 v7, v3  }
0x1a2: {  	v9 =	vld [tilespmem:s31+$0xF0];
	v0 =	vadd.f32 v1, v0;
	v1 =	vmul.f32 v2, v2  }
0x1a3: {  	v2 =	vld.idx.msk [tilespmem:v5+s3+$0x0], $0xffff;
	v5 =	vunpack.i.l.bf16.f32 v3  }
0x1a4: {  	v7 =	vld.idx.msk [tilespmem:v10+s3+$0x0], $0xffff;
	v0 =	vadd.f32 v0, v1;
	v1 =	vmul.f32 v5, v5  }
0x1a5: {  	v10 =	vld [tilespmem:s31+$0x100];
	v3 =	vunpack.i.u.bf16.f32 v3;
	v6 =	vsub.bf16 v8, v6  }
0x1a6: {  	v5 =	vld [tilespmem:s31+$0x180];
	v0 =	vadd.f32 v1, v0;
	v1 =	vmul.f32 v3, v3  }
0x1a7: {  	v3 =	vld.idx.msk [tilespmem:v4+s3+$0x0], $0xffff;
	v4 =	vunpack.i.l.bf16.f32 v6  }
0x1a8: {  	v8 =	vld.idx.msk [tilespmem:v58+s3+$0x0], $0xffff;
	v0 =	vadd.f32 v0, v1;
	v1 =	vmul.f32 v4, v4  }
0x1a9: {  	v60 =	vld [tilespmem:s31+$0x140];
	v6 =	vunpack.i.u.bf16.f32 v6;
	v2 =	vsub.bf16 v7, v2  }
0x1aa: {  	v4 =	vld [tilespmem:s31+$0x190];
	v0 =	vadd.f32 v1, v0;
	v1 =	vmul.f32 v6, v6  }
0x1ab: {  	v6 =	vld.idx.msk [tilespmem:v9+s3+$0x0], $0xffff;
	v9 =	vunpack.i.l.bf16.f32 v2  }
0x1ac: {  	v7 =	vld.idx.msk [tilespmem:v11+s3+$0x0], $0xffff;
	v0 =	vadd.f32 v0, v1;
	v1 =	vmul.f32 v9, v9  }
0x1ad: {  	v11 =	vld [tilespmem:s31+$0x120];
	v2 =	vunpack.i.u.bf16.f32 v2;
	v3 =	vsub.bf16 v8, v3  }
0x1ae: {  	v9 =	vld [tilespmem:s31+$0x1A0];
	v0 =	vadd.f32 v1, v0;
	v1 =	vmul.f32 v2, v2  }
0x1af: {  	v2 =	vld.idx.msk [tilespmem:v5+s3+$0x0], $0xffff;
	v5 =	vunpack.i.l.bf16.f32 v3  }
0x1b0: {  	v8 =	vld.idx.msk [tilespmem:v10+s3+$0x0], $0xffff;
	v0 =	vadd.f32 v0, v1;
	v1 =	vmul.f32 v5, v5  }
0x1b1: {  	v10 =	vld [tilespmem:s31+$0x130];
	v3 =	vunpack.i.u.bf16.f32 v3;
	v6 =	vsub.bf16 v7, v6  }
0x1b2: {  	v5 =	vld [tilespmem:s31+$0x1B0];
	v0 =	vadd.f32 v1, v0;
	v1 =	vmul.f32 v3, v3  }
0x1b3: {  	v3 =	vld.idx.msk [tilespmem:v4+s3+$0x0], $0xffff;
	v4 =	vunpack.i.l.bf16.f32 v6  }
0x1b4: {  	v7 =	vld.idx.msk [tilespmem:v59+s3+$0x0], $0xffff;
	v0 =	vadd.f32 v0, v1;
	v1 =	vmul.f32 v4, v4  }
0x1b5: {  	v61 =	vld [tilespmem:s31+$0x1D0];
	v6 =	vunpack.i.u.bf16.f32 v6;
	v2 =	vsub.bf16 v8, v2  }
0x1b6: {  	v4 =	vld [tilespmem:s31+$0x1C0];
	v0 =	vadd.f32 v1, v0;
	v1 =	vmul.f32 v6, v6  }
0x1b7: {  	v6 =	vld.idx.msk [tilespmem:v9+s3+$0x0], $0xffff;
	v9 =	vunpack.i.l.bf16.f32 v2  }
0x1b8: {  	v8 =	vld.idx.msk [tilespmem:v11+s3+$0x0], $0xffff;
	v0 =	vadd.f32 v0, v1;
	v1 =	vmul.f32 v9, v9  }
0x1b9: {  	v11 =	vld [tilespmem:s31+$0x150];
	v2 =	vunpack.i.u.bf16.f32 v2;
	v3 =	vsub.bf16 v7, v3  }
0x1ba: {  	v7 =	vld.idx.msk [tilespmem:v10+s3+$0x0], $0xffff;
	v2 =	vmul.f32 v2, v2;
	v0 =	vadd.f32 v1, v0  }
0x1bb: {  	v9 =	vld.idx.msk [tilespmem:v5+s3+$0x0], $0xffff;
	v5 =	vunpack.i.l.bf16.f32 v3  }
0x1bc: {  	v1 =	vld [tilespmem:s31+$0x160];
	v10 =	vmul.f32 v5, v5;
	v0 =	vadd.f32 v0, v2  }
0x1bd: {  	v3 =	vunpack.i.u.bf16.f32 v3;
	v5 =	vld.idx.msk [tilespmem:v60+s3+$0x0], $0xffff;
	v62 =	vsub.bf16 v8, v6  }
0x1be: {  	v3 =	vmul.f32 v3, v3;
	v2 =	vld [tilespmem:s31+$0x1E0];
	v8 =	vadd.f32 v10, v0  }
0x1bf: {  	v6 =	vld.idx.msk [tilespmem:v4+s3+$0x0], $0xffff;
	v4 =	vunpack.i.l.bf16.f32 v62  }
0x1c0: {  	v0 =	vld [tilespmem:s31+$0x170];
	v63 =	vmul.f32 v4, v4;
	v10 =	vadd.f32 v8, v3  }
0x1c1: {  	v4 =	vld.idx.msk [tilespmem:v11+s3+$0x0], $0xffff;
	v8 =	vsub.bf16 v7, v9;
	v7 =	vunpack.i.u.bf16.f32 v62  }
0x1c2: {  	v3 =	vld [tilespmem:s31+$0x1F0];
	v9 =	vadd.f32 v63, v10;
	v10 =	vmul.f32 v7, v7  }
0x1c3: {  	s20 =	simm.s32 $0x0;
	s21 =	simm.s32 $0x1A600;
	v11 =	vunpack.i.l.bf16.f32 v8;
	v7 =	vld.idx.msk [tilespmem:v61+s3+$0x0], $0xffff  }
.LBB2_5:
0x1c4: {  	v12 =	vld [tilespmem:s21+$0xFFFFFE00];
	v9 =	vadd.f32 v9, v10;
	v10 =	vmul.f32 v11, v11  }
0x1c5: {  	v8 =	vunpack.i.u.bf16.f32 v8;
	v5 =	vsub.bf16 v5, v6;
	v11 =	vld [tilespmem:s21+$0xFFFFFE80]  }
0x1c6: {  	v8 =	vmul.f32 v8, v8;
	v6 =	vadd.f32 v10, v9;
	v1 =	vld.idx.msk [tilespmem:v1+s3+$0x0], $0xffff  }
0x1c7: {  	s20 =	sadd.s32 $0x4, s20;
	v9 =	vunpack.i.l.bf16.f32 v5;
	v2 =	vld.idx.msk [tilespmem:v2+s3+$0x0], $0xffff  }
0x1c8: {  	p0 =	slt.u32 s20, $0x14;
	v10 =	vld [tilespmem:s21+$0xFFFFFE10];
	v6 =	vadd.f32 v6, v8;
	v8 =	vmul.f32 v9, v9  }
0x1c9: {  	v5 =	vunpack.i.u.bf16.f32 v5;
	v4 =	vsub.bf16 v4, v7;
	v9 =	vld [tilespmem:s21+$0xFFFFFE90]  }
0x1ca: {  	v5 =	vmul.f32 v5, v5;
	v6 =	vadd.f32 v8, v6;
	v0 =	vld.idx.msk [tilespmem:v0+s3+$0x0], $0xffff  }
0x1cb: {  	v7 =	vunpack.i.l.bf16.f32 v4;
	v3 =	vld.idx.msk [tilespmem:v3+s3+$0x0], $0xffff  }
0x1cc: {  	v8 =	vld [tilespmem:s21+$0xFFFFFE20];
	v5 =	vadd.f32 v6, v5;
	v6 =	vmul.f32 v7, v7  }
0x1cd: {  	v4 =	vunpack.i.u.bf16.f32 v4;
	v1 =	vsub.bf16 v1, v2;
	v7 =	vld [tilespmem:s21+$0xFFFFFEA0]  }
0x1ce: {  	v4 =	vmul.f32 v4, v4;
	v2 =	vld.idx.msk [tilespmem:v12+s3+$0x0], $0xffff;
	v5 =	vadd.f32 v6, v5  }
0x1cf: {  	v6 =	vld.idx.msk [tilespmem:v11+s3+$0x0], $0xffff;
	v11 =	vunpack.i.l.bf16.f32 v1  }
0x1d0: {  	v12 =	vld [tilespmem:s21+$0xFFFFFE30];
	v4 =	vadd.f32 v5, v4;
	v5 =	vmul.f32 v11, v11  }
0x1d1: {  	v1 =	vunpack.i.u.bf16.f32 v1;
	v0 =	vsub.bf16 v0, v3;
	v11 =	vld [tilespmem:s21+$0xFFFFFEB0]  }
0x1d2: {  	v1 =	vmul.f32 v1, v1;
	v3 =	vld.idx.msk [tilespmem:v10+s3+$0x0], $0xffff;
	v4 =	vadd.f32 v5, v4  }
0x1d3: {  	v5 =	vld.idx.msk [tilespmem:v9+s3+$0x0], $0xffff;
	v9 =	vunpack.i.l.bf16.f32 v0  }
0x1d4: {  	v10 =	vld [tilespmem:s21+$0xFFFFFE40];
	v1 =	vadd.f32 v4, v1;
	v4 =	vmul.f32 v9, v9  }
0x1d5: {  	v0 =	vunpack.i.u.bf16.f32 v0;
	v2 =	vsub.bf16 v2, v6;
	v6 =	vld [tilespmem:s21+$0xFFFFFEC0]  }
0x1d6: {  	v0 =	vmul.f32 v0, v0;
	v8 =	vld.idx.msk [tilespmem:v8+s3+$0x0], $0xffff;
	v1 =	vadd.f32 v4, v1  }
0x1d7: {  	v4 =	vunpack.i.l.bf16.f32 v2;
	v7 =	vld.idx.msk [tilespmem:v7+s3+$0x0], $0xffff  }
0x1d8: {  	v4 =	vmul.f32 v4, v4;
	v9 =	vld [tilespmem:s21+$0xFFFFFE50];
	v0 =	vadd.f32 v1, v0  }
0x1d9: {  	v1 =	vunpack.i.u.bf16.f32 v2;
	v2 =	vsub.bf16 v3, v5;
	v3 =	vld [tilespmem:s21+$0xFFFFFED0]  }
0x1da: {  	v1 =	vmul.f32 v1, v1;
	v0 =	vadd.f32 v4, v0;
	v4 =	vld.idx.msk [tilespmem:v12+s3+$0x0], $0xffff  }
0x1db: {  	v5 =	vunpack.i.l.bf16.f32 v2;
	v11 =	vld.idx.msk [tilespmem:v11+s3+$0x0], $0xffff  }
0x1dc: {  	v0 =	vadd.f32 v0, v1;
	v1 =	vmul.f32 v5, v5;
	v5 =	vld [tilespmem:s21+$0xFFFFFE60]  }
0x1dd: {  	v2 =	vunpack.i.u.bf16.f32 v2;
	v7 =	vsub.bf16 v8, v7;
	v8 =	vld [tilespmem:s21+$0xFFFFFEE0]  }
0x1de: {  	v0 =	vadd.f32 v1, v0;
	v1 =	vmul.f32 v2, v2;
	v2 =	vld.idx.msk [tilespmem:v10+s3+$0x0], $0xffff  }
0x1df: {  	v10 =	vunpack.i.l.bf16.f32 v7;
	v6 =	vld.idx.msk [tilespmem:v6+s3+$0x0], $0xffff  }
0x1e0: {  	v0 =	vadd.f32 v0, v1;
	v1 =	vmul.f32 v10, v10;
	v10 =	vld [tilespmem:s21+$0xFFFFFE70]  }
0x1e1: {  	v7 =	vunpack.i.u.bf16.f32 v7;
	v4 =	vsub.bf16 v4, v11;
	v11 =	vld [tilespmem:s21+$0xFFFFFEF0]  }
0x1e2: {  	v0 =	vadd.f32 v1, v0;
	v1 =	vmul.f32 v7, v7;
	v7 =	vld.idx.msk [tilespmem:v9+s3+$0x0], $0xffff  }
0x1e3: {  	v9 =	vunpack.i.l.bf16.f32 v4;
	v3 =	vld.idx.msk [tilespmem:v3+s3+$0x0], $0xffff  }
0x1e4: {  	v0 =	vadd.f32 v0, v1;
	v1 =	vmul.f32 v9, v9;
	v9 =	vld [tilespmem:s21+$0xFFFFFF00]  }
0x1e5: {  	v4 =	vunpack.i.u.bf16.f32 v4;
	v2 =	vsub.bf16 v2, v6;
	v6 =	vld [tilespmem:s21+$0xFFFFFF80]  }
0x1e6: {  	v0 =	vadd.f32 v1, v0;
	v1 =	vmul.f32 v4, v4;
	v4 =	vld.idx.msk [tilespmem:v5+s3+$0x0], $0xffff  }
0x1e7: {  	v5 =	vunpack.i.l.bf16.f32 v2;
	v8 =	vld.idx.msk [tilespmem:v8+s3+$0x0], $0xffff  }
0x1e8: {  	v0 =	vadd.f32 v0, v1;
	v1 =	vmul.f32 v5, v5;
	v5 =	vld [tilespmem:s21+$0xFFFFFF10]  }
0x1e9: {  	v2 =	vunpack.i.u.bf16.f32 v2;
	v3 =	vsub.bf16 v7, v3;
	v7 =	vld [tilespmem:s21+$0xFFFFFF90]  }
0x1ea: {  	v0 =	vadd.f32 v1, v0;
	v1 =	vmul.f32 v2, v2;
	v2 =	vld.idx.msk [tilespmem:v10+s3+$0x0], $0xffff  }
0x1eb: {  	v10 =	vunpack.i.l.bf16.f32 v3;
	v11 =	vld.idx.msk [tilespmem:v11+s3+$0x0], $0xffff  }
0x1ec: {  	v0 =	vadd.f32 v0, v1;
	v1 =	vmul.f32 v10, v10;
	v10 =	vld [tilespmem:s21+$0xFFFFFF20]  }
0x1ed: {  	v3 =	vunpack.i.u.bf16.f32 v3;
	v4 =	vsub.bf16 v4, v8;
	v8 =	vld [tilespmem:s21+$0xFFFFFFA0]  }
0x1ee: {  	v0 =	vadd.f32 v1, v0;
	v1 =	vmul.f32 v3, v3;
	v3 =	vld.idx.msk [tilespmem:v9+s3+$0x0], $0xffff  }
0x1ef: {  	v9 =	vunpack.i.l.bf16.f32 v4;
	v6 =	vld.idx.msk [tilespmem:v6+s3+$0x0], $0xffff  }
0x1f0: {  	v0 =	vadd.f32 v0, v1;
	v1 =	vmul.f32 v9, v9;
	v9 =	vld [tilespmem:s21+$0xFFFFFF30]  }
0x1f1: {  	v4 =	vunpack.i.u.bf16.f32 v4;
	v2 =	vsub.bf16 v2, v11;
	v11 =	vld [tilespmem:s21+$0xFFFFFFB0]  }
0x1f2: {  	v0 =	vadd.f32 v1, v0;
	v1 =	vmul.f32 v4, v4;
	v4 =	vld.idx.msk [tilespmem:v5+s3+$0x0], $0xffff  }
0x1f3: {  	v5 =	vunpack.i.l.bf16.f32 v2;
	v7 =	vld.idx.msk [tilespmem:v7+s3+$0x0], $0xffff  }
0x1f4: {  	v0 =	vadd.f32 v0, v1;
	v1 =	vmul.f32 v5, v5;
	v5 =	vld [tilespmem:s21+$0xFFFFFF40]  }
0x1f5: {  	v2 =	vunpack.i.u.bf16.f32 v2;
	v3 =	vsub.bf16 v3, v6;
	v6 =	vld [tilespmem:s21+$0xFFFFFFC0]  }
0x1f6: {  	v0 =	vadd.f32 v1, v0;
	v1 =	vmul.f32 v2, v2;
	v2 =	vld.idx.msk [tilespmem:v10+s3+$0x0], $0xffff  }
0x1f7: {  	v10 =	vunpack.i.l.bf16.f32 v3;
	v8 =	vld.idx.msk [tilespmem:v8+s3+$0x0], $0xffff  }
0x1f8: {  	v0 =	vadd.f32 v0, v1;
	v1 =	vmul.f32 v10, v10;
	v10 =	vld [tilespmem:s21+$0xFFFFFF50]  }
0x1f9: {  	v3 =	vunpack.i.u.bf16.f32 v3;
	v4 =	vsub.bf16 v4, v7;
	v7 =	vld [tilespmem:s21+$0xFFFFFFD0]  }
0x1fa: {  	v0 =	vadd.f32 v1, v0;
	v1 =	vmul.f32 v3, v3;
	v3 =	vld.idx.msk [tilespmem:v9+s3+$0x0], $0xffff  }
0x1fb: {  	v9 =	vunpack.i.l.bf16.f32 v4;
	v11 =	vld.idx.msk [tilespmem:v11+s3+$0x0], $0xffff  }
0x1fc: {  	v0 =	vadd.f32 v0, v1;
	v1 =	vmul.f32 v9, v9;
	v9 =	vld [tilespmem:s21+$0xFFFFFF60]  }
0x1fd: {  	v4 =	vunpack.i.u.bf16.f32 v4;
	v2 =	vsub.bf16 v2, v8;
	v8 =	vld [tilespmem:s21+$0xFFFFFFE0]  }
0x1fe: {  	v0 =	vadd.f32 v1, v0;
	v1 =	vmul.f32 v4, v4;
	v4 =	vld.idx.msk [tilespmem:v5+s3+$0x0], $0xffff  }
0x1ff: {  	v5 =	vunpack.i.l.bf16.f32 v2;
	v6 =	vld.idx.msk [tilespmem:v6+s3+$0x0], $0xffff  }
0x200: {  	v0 =	vadd.f32 v0, v1;
	v1 =	vmul.f32 v5, v5;
	v5 =	vld [tilespmem:s21+$0xFFFFFF70]  }
0x201: {  	v2 =	vunpack.i.u.bf16.f32 v2;
	v3 =	vsub.bf16 v3, v11;
	v11 =	vld [tilespmem:s21+$0xFFFFFFF0]  }
0x202: {  	v0 =	vadd.f32 v1, v0;
	v1 =	vmul.f32 v2, v2;
	v2 =	vld.idx.msk [tilespmem:v10+s3+$0x0], $0xffff  }
0x203: {  	v10 =	vunpack.i.l.bf16.f32 v3;
	v7 =	vld.idx.msk [tilespmem:v7+s3+$0x0], $0xffff  }
0x204: {  	v0 =	vadd.f32 v0, v1;
	v1 =	vmul.f32 v10, v10;
	v10 =	vld [tilespmem:s21+$0x0]  }
0x205: {  	v3 =	vunpack.i.u.bf16.f32 v3;
	v4 =	vsub.bf16 v4, v6;
	v6 =	vld [tilespmem:s21+$0x80]  }
0x206: {  	v0 =	vadd.f32 v1, v0;
	v1 =	vmul.f32 v3, v3;
	v3 =	vld.idx.msk [tilespmem:v9+s3+$0x0], $0xffff  }
0x207: {  	v9 =	vunpack.i.l.bf16.f32 v4;
	v8 =	vld.idx.msk [tilespmem:v8+s3+$0x0], $0xffff  }
0x208: {  	v0 =	vadd.f32 v0, v1;
	v1 =	vmul.f32 v9, v9;
	v9 =	vld [tilespmem:s21+$0x10]  }
0x209: {  	v4 =	vunpack.i.u.bf16.f32 v4;
	v2 =	vsub.bf16 v2, v7;
	v7 =	vld [tilespmem:s21+$0x90]  }
0x20a: {  	v0 =	vadd.f32 v1, v0;
	v1 =	vmul.f32 v4, v4;
	v4 =	vld.idx.msk [tilespmem:v5+s3+$0x0], $0xffff  }
0x20b: {  	v5 =	vunpack.i.l.bf16.f32 v2;
	v11 =	vld.idx.msk [tilespmem:v11+s3+$0x0], $0xffff  }
0x20c: {  	v0 =	vadd.f32 v0, v1;
	v1 =	vmul.f32 v5, v5;
	v5 =	vld [tilespmem:s21+$0x20]  }
0x20d: {  	v2 =	vunpack.i.u.bf16.f32 v2;
	v3 =	vsub.bf16 v3, v8;
	v8 =	vld [tilespmem:s21+$0xA0]  }
0x20e: {  	v0 =	vadd.f32 v1, v0;
	v1 =	vmul.f32 v2, v2;
	v2 =	vld.idx.msk [tilespmem:v10+s3+$0x0], $0xffff  }
0x20f: {  	v10 =	vunpack.i.l.bf16.f32 v3;
	v6 =	vld.idx.msk [tilespmem:v6+s3+$0x0], $0xffff  }
0x210: {  	v0 =	vadd.f32 v0, v1;
	v1 =	vmul.f32 v10, v10;
	v10 =	vld [tilespmem:s21+$0x30]  }
0x211: {  	v3 =	vunpack.i.u.bf16.f32 v3;
	v4 =	vsub.bf16 v4, v11;
	v11 =	vld [tilespmem:s21+$0xB0]  }
0x212: {  	v0 =	vadd.f32 v1, v0;
	v1 =	vmul.f32 v3, v3;
	v3 =	vld.idx.msk [tilespmem:v9+s3+$0x0], $0xffff  }
0x213: {  	v9 =	vunpack.i.l.bf16.f32 v4;
	v7 =	vld.idx.msk [tilespmem:v7+s3+$0x0], $0xffff  }
0x214: {  	v0 =	vadd.f32 v0, v1;
	v1 =	vmul.f32 v9, v9;
	v9 =	vld [tilespmem:s21+$0x40]  }
0x215: {  	v4 =	vunpack.i.u.bf16.f32 v4;
	v2 =	vsub.bf16 v2, v6;
	v6 =	vld [tilespmem:s21+$0xC0]  }
0x216: {  	v0 =	vadd.f32 v1, v0;
	v1 =	vmul.f32 v4, v4;
	v4 =	vld.idx.msk [tilespmem:v5+s3+$0x0], $0xffff  }
0x217: {  	v5 =	vunpack.i.l.bf16.f32 v2;
	v8 =	vld.idx.msk [tilespmem:v8+s3+$0x0], $0xffff  }
0x218: {  	v0 =	vadd.f32 v0, v1;
	v1 =	vmul.f32 v5, v5;
	v5 =	vld [tilespmem:s21+$0x50]  }
0x219: {  	v2 =	vunpack.i.u.bf16.f32 v2;
	v3 =	vsub.bf16 v3, v7;
	v7 =	vld [tilespmem:s21+$0xD0]  }
0x21a: {  	v0 =	vadd.f32 v1, v0;
	v1 =	vmul.f32 v2, v2;
	v2 =	vld.idx.msk [tilespmem:v10+s3+$0x0], $0xffff  }
0x21b: {  	v10 =	vunpack.i.l.bf16.f32 v3;
	v11 =	vld.idx.msk [tilespmem:v11+s3+$0x0], $0xffff  }
0x21c: {  	v0 =	vadd.f32 v0, v1;
	v1 =	vmul.f32 v10, v10;
	v10 =	vld [tilespmem:s21+$0x60]  }
0x21d: {  	v3 =	vunpack.i.u.bf16.f32 v3;
	v4 =	vsub.bf16 v4, v8;
	v8 =	vld [tilespmem:s21+$0xE0]  }
0x21e: {  	v0 =	vadd.f32 v1, v0;
	v1 =	vmul.f32 v3, v3;
	v3 =	vld.idx.msk [tilespmem:v9+s3+$0x0], $0xffff  }
0x21f: {  	v9 =	vunpack.i.l.bf16.f32 v4;
	v6 =	vld.idx.msk [tilespmem:v6+s3+$0x0], $0xffff  }
0x220: {  	v0 =	vadd.f32 v0, v1;
	v1 =	vmul.f32 v9, v9;
	v9 =	vld [tilespmem:s21+$0x70]  }
0x221: {  	v4 =	vunpack.i.u.bf16.f32 v4;
	v2 =	vsub.bf16 v2, v11;
	v11 =	vld [tilespmem:s21+$0xF0]  }
0x222: {  	v0 =	vadd.f32 v1, v0;
	v1 =	vmul.f32 v4, v4;
	v4 =	vld.idx.msk [tilespmem:v5+s3+$0x0], $0xffff  }
0x223: {  	v5 =	vunpack.i.l.bf16.f32 v2;
	v7 =	vld.idx.msk [tilespmem:v7+s3+$0x0], $0xffff  }
0x224: {  	v0 =	vadd.f32 v0, v1;
	v1 =	vmul.f32 v5, v5;
	v5 =	vld [tilespmem:s21+$0x100]  }
0x225: {  	v2 =	vunpack.i.u.bf16.f32 v2;
	v3 =	vsub.bf16 v3, v6;
	v6 =	vld [tilespmem:s21+$0x180]  }
0x226: {  	v0 =	vadd.f32 v1, v0;
	v1 =	vmul.f32 v2, v2;
	v2 =	vld.idx.msk [tilespmem:v10+s3+$0x0], $0xffff  }
0x227: {  	v10 =	vunpack.i.l.bf16.f32 v3;
	v8 =	vld.idx.msk [tilespmem:v8+s3+$0x0], $0xffff  }
0x228: {  	v0 =	vadd.f32 v0, v1;
	v1 =	vmul.f32 v10, v10;
	v10 =	vld [tilespmem:s21+$0x110]  }
0x229: {  	v3 =	vunpack.i.u.bf16.f32 v3;
	v4 =	vsub.bf16 v4, v7;
	v7 =	vld [tilespmem:s21+$0x190]  }
0x22a: {  	v0 =	vadd.f32 v1, v0;
	v1 =	vmul.f32 v3, v3;
	v3 =	vld.idx.msk [tilespmem:v9+s3+$0x0], $0xffff  }
0x22b: {  	v9 =	vunpack.i.l.bf16.f32 v4;
	v11 =	vld.idx.msk [tilespmem:v11+s3+$0x0], $0xffff  }
0x22c: {  	v0 =	vadd.f32 v0, v1;
	v1 =	vmul.f32 v9, v9;
	v9 =	vld [tilespmem:s21+$0x120]  }
0x22d: {  	v4 =	vunpack.i.u.bf16.f32 v4;
	v2 =	vsub.bf16 v2, v8;
	v8 =	vld [tilespmem:s21+$0x1A0]  }
0x22e: {  	v0 =	vadd.f32 v1, v0;
	v1 =	vmul.f32 v4, v4;
	v4 =	vld.idx.msk [tilespmem:v5+s3+$0x0], $0xffff  }
0x22f: {  	v5 =	vunpack.i.l.bf16.f32 v2;
	v6 =	vld.idx.msk [tilespmem:v6+s3+$0x0], $0xffff  }
0x230: {  	v0 =	vadd.f32 v0, v1;
	v1 =	vmul.f32 v5, v5;
	v5 =	vld [tilespmem:s21+$0x130]  }
0x231: {  	v2 =	vunpack.i.u.bf16.f32 v2;
	v3 =	vsub.bf16 v3, v11;
	v11 =	vld [tilespmem:s21+$0x1B0]  }
0x232: {  	v0 =	vadd.f32 v1, v0;
	v1 =	vmul.f32 v2, v2;
	v2 =	vld.idx.msk [tilespmem:v10+s3+$0x0], $0xffff  }
0x233: {  	v10 =	vunpack.i.l.bf16.f32 v3;
	v7 =	vld.idx.msk [tilespmem:v7+s3+$0x0], $0xffff  }
0x234: {  	v0 =	vadd.f32 v0, v1;
	v1 =	vmul.f32 v10, v10;
	v10 =	vld [tilespmem:s21+$0x140]  }
0x235: {  	v3 =	vunpack.i.u.bf16.f32 v3;
	v4 =	vsub.bf16 v4, v6;
	v6 =	vld [tilespmem:s21+$0x1C0]  }
0x236: {  	v0 =	vadd.f32 v1, v0;
	v1 =	vmul.f32 v3, v3;
	v3 =	vld.idx.msk [tilespmem:v9+s3+$0x0], $0xffff  }
0x237: {  	v9 =	vunpack.i.l.bf16.f32 v4;
	v8 =	vld.idx.msk [tilespmem:v8+s3+$0x0], $0xffff  }
0x238: {  	v0 =	vadd.f32 v0, v1;
	v1 =	vmul.f32 v9, v9;
	v12 =	vld [tilespmem:s21+$0x150]  }
0x239: {  	v4 =	vunpack.i.u.bf16.f32 v4;
	v2 =	vsub.bf16 v2, v7;
	v7 =	vld [tilespmem:s21+$0x1D0]  }
0x23a: {  	v0 =	vadd.f32 v1, v0;
	v1 =	vmul.f32 v4, v4;
	v4 =	vld.idx.msk [tilespmem:v5+s3+$0x0], $0xffff  }
0x23b: {  	v5 =	vunpack.i.l.bf16.f32 v2;
	v9 =	vld.idx.msk [tilespmem:v11+s3+$0x0], $0xffff  }
0x23c: {  	v5 =	vmul.f32 v5, v5;
	v0 =	vadd.f32 v0, v1;
	v1 =	vld [tilespmem:s21+$0x160]  }
0x23d: {  	v11 =	vunpack.i.u.bf16.f32 v2;
	v3 =	vsub.bf16 v3, v8;
	v2 =	vld [tilespmem:s21+$0x1E0]  }
0x23e: {  	v8 =	vmul.f32 v11, v11;
	v0 =	vadd.f32 v5, v0;
	v5 =	vld.idx.msk [tilespmem:v10+s3+$0x0], $0xffff  }
.Ltmp1:
0x23f: {  	v10 =	vunpack.i.l.bf16.f32 v3;
	v6 =	vld.idx.msk [tilespmem:v6+s3+$0x0], $0xffff;
	(pc) =	sbr.rel @p0 .LBB2_5-.Ltmp1, $4  }
0x240: {  	v10 =	vmul.f32 v10, v10;
	v11 =	vadd.f32 v0, v8;
	v0 =	vld [tilespmem:s21+$0x170]  }
0x241: {  	v13 =	vunpack.i.u.bf16.f32 v3;
	v8 =	vsub.bf16 v4, v9;
	v3 =	vld [tilespmem:s21+$0x1F0]  }
0x242: {  	v9 =	vadd.f32 v10, v11;
	v10 =	vmul.f32 v13, v13;
	v4 =	vld.idx.msk [tilespmem:v12+s3+$0x0], $0xffff  }
0x243: {  	s21 =	sadd.s32 $0x400, s21;
	v11 =	vunpack.i.l.bf16.f32 v8;
	v7 =	vld.idx.msk [tilespmem:v7+s3+$0x0], $0xffff  }
0x244: {  	_ = 	snop  }
0x245: {  	v9 =	vadd.f32 v9, v10;
	v32 =	vmul.f32 v11, v11  }
0x246: {  	v8 =	vunpack.i.u.bf16.f32 v8;
	v5 =	vsub.bf16 v5, v6;
	v33 =	vld [tilespmem:$0x1B800]  }
0x247: {  	v34 =	vld [tilespmem:$0x1B880];
	v8 =	vmul.f32 v8, v8;
	v9 =	vadd.f32 v32, v9  }
0x248: {  	v1 =	vld.idx.msk [tilespmem:v1+s3+$0x0], $0xffff;
	v35 =	vunpack.i.l.bf16.f32 v5  }
0x249: {  	v2 =	vld.idx.msk [tilespmem:v2+s3+$0x0], $0xffff;
	v36 =	vmul.f32 v35, v35;
	v8 =	vadd.f32 v9, v8  }
0x24a: {  	v37 =	vld [tilespmem:$0x1B810];
	v5 =	vunpack.i.u.bf16.f32 v5;
	v4 =	vsub.bf16 v4, v7  }
0x24b: {  	v38 =	vld [tilespmem:$0x1B890];
	v5 =	vmul.f32 v5, v5;
	v8 =	vadd.f32 v36, v8  }
0x24c: {  	v0 =	vld.idx.msk [tilespmem:v0+s3+$0x0], $0xffff;
	v39 =	vunpack.i.l.bf16.f32 v4  }
0x24d: {  	v3 =	vld.idx.msk [tilespmem:v3+s3+$0x0], $0xffff;
	v40 =	vmul.f32 v39, v39;
	v5 =	vadd.f32 v8, v5  }
0x24e: {  	v43 =	vld [tilespmem:$0x1B820];
	v1 =	vsub.bf16 v1, v2;
	v4 =	vunpack.i.u.bf16.f32 v4  }
0x24f: {  	v45 =	vld [tilespmem:$0x1B8A0];
	v4 =	vmul.f32 v4, v4;
	v5 =	vadd.f32 v40, v5  }
0x250: {  	v42 =	vunpack.i.l.bf16.f32 v1;
	v2 =	vld.idx.msk [tilespmem:v33+s3+$0x0], $0xffff  }
0x251: {  	v41 =	vld.idx.msk [tilespmem:v34+s3+$0x0], $0xffff;
	v44 =	vmul.f32 v42, v42;
	v4 =	vadd.f32 v5, v4  }
0x252: {  	v48 =	vld [tilespmem:$0x1B830];
	v1 =	vunpack.i.u.bf16.f32 v1;
	v0 =	vsub.bf16 v0, v3  }
0x253: {  	v50 =	vld [tilespmem:$0x1B8B0];
	v1 =	vmul.f32 v1, v1;
	v4 =	vadd.f32 v44, v4  }
0x254: {  	v3 =	vld.idx.msk [tilespmem:v37+s3+$0x0], $0xffff;
	v47 =	vunpack.i.l.bf16.f32 v0  }
0x255: {  	v46 =	vld.idx.msk [tilespmem:v38+s3+$0x0], $0xffff;
	v49 =	vmul.f32 v47, v47;
	v1 =	vadd.f32 v4, v1  }
0x256: {  	v51 =	vld [tilespmem:$0x1B840];
	v0 =	vunpack.i.u.bf16.f32 v0;
	v2 =	vsub.bf16 v2, v41  }
0x257: {  	v52 =	vld [tilespmem:$0x1B8C0];
	v0 =	vmul.f32 v0, v0;
	v1 =	vadd.f32 v49, v1  }
0x258: {  	v10 =	vld.idx.msk [tilespmem:v43+s3+$0x0], $0xffff;
	v53 =	vunpack.i.l.bf16.f32 v2  }
0x259: {  	v8 =	vld.idx.msk [tilespmem:v45+s3+$0x0], $0xffff;
	v0 =	vadd.f32 v1, v0;
	v1 =	vmul.f32 v53, v53  }
0x25a: {  	v54 =	vld [tilespmem:$0x1B850];
	v3 =	vsub.bf16 v3, v46;
	v2 =	vunpack.i.u.bf16.f32 v2  }
0x25b: {  	v9 =	vld.idx.msk [tilespmem:v48+s3+$0x0], $0xffff;
	v0 =	vadd.f32 v1, v0;
	v1 =	vmul.f32 v2, v2  }
0x25c: {  	v7 =	vld.idx.msk [tilespmem:v50+s3+$0x0], $0xffff;
	v55 =	vunpack.i.l.bf16.f32 v3  }
0x25d: {  	v2 =	vld [tilespmem:$0x1B8D0];
	v0 =	vadd.f32 v0, v1;
	v1 =	vmul.f32 v55, v55  }
0x25e: {  	v57 =	vld [tilespmem:$0x1B860];
	v8 =	vsub.bf16 v10, v8;
	v3 =	vunpack.i.u.bf16.f32 v3  }
0x25f: {  	v58 =	vld [tilespmem:$0x1B8E0];
	v0 =	vadd.f32 v1, v0;
	v1 =	vmul.f32 v3, v3  }
0x260: {  	v6 =	vld.idx.msk [tilespmem:v51+s3+$0x0], $0xffff;
	v56 =	vunpack.i.l.bf16.f32 v8  }
0x261: {  	v3 =	vld.idx.msk [tilespmem:v52+s3+$0x0], $0xffff;
	v0 =	vadd.f32 v0, v1;
	v1 =	vmul.f32 v56, v56  }
0x262: {  	v60 =	vld [tilespmem:$0x1B870];
	v7 =	vsub.bf16 v9, v7;
	v8 =	vunpack.i.u.bf16.f32 v8  }
0x263: {  	v61 =	vld [tilespmem:$0x1B8F0];
	v0 =	vadd.f32 v1, v0;
	v1 =	vmul.f32 v8, v8  }
0x264: {  	v5 =	vld.idx.msk [tilespmem:v54+s3+$0x0], $0xffff;
	v59 =	vunpack.i.l.bf16.f32 v7  }
0x265: {  	v2 =	vld.idx.msk [tilespmem:v2+s3+$0x0], $0xffff;
	v0 =	vadd.f32 v0, v1;
	v1 =	vmul.f32 v59, v59  }
0x266: {  	v7 =	vunpack.i.u.bf16.f32 v7;
	v3 =	vsub.bf16 v6, v3  }
0x267: {  	v0 =	vadd.f32 v1, v0;
	v1 =	vmul.f32 v7, v7  }
0x268: {  	v62 =	vld.idx.msk [tilespmem:v57+s3+$0x0], $0xffff;
	v6 =	vunpack.i.l.bf16.f32 v3  }
0x269: {  	v4 =	vld.idx.msk [tilespmem:v58+s3+$0x0], $0xffff;
	v0 =	vadd.f32 v0, v1;
	v1 =	vmul.f32 v6, v6  }
0x26a: {  	v3 =	vunpack.i.u.bf16.f32 v3;
	v2 =	vsub.bf16 v5, v2  }
0x26b: {  	v0 =	vadd.f32 v1, v0;
	v1 =	vmul.f32 v3, v3  }
0x26c: {  	v63 =	vld.idx.msk [tilespmem:v60+s3+$0x0], $0xffff;
	v3 =	vunpack.i.l.bf16.f32 v2  }
0x26d: {  	v0 =	vadd.f32 v0, v1;
	v1 =	vmul.f32 v3, v3;
	v3 =	vld.idx.msk [tilespmem:v61+s3+$0x0], $0xffff  }
0x26e: {  	v4 =	vsub.bf16 v62, v4;
	v2 =	vunpack.i.u.bf16.f32 v2  }
0x26f: {  	v0 =	vadd.f32 v1, v0;
	v1 =	vmul.f32 v2, v2  }
0x270: {  	v2 =	vunpack.i.l.bf16.f32 v4  }
0x271: {  	v0 =	vadd.f32 v0, v1;
	v1 =	vmul.f32 v2, v2  }
0x272: {  	v2 =	vunpack.i.u.bf16.f32 v4;
	v3 =	vsub.bf16 v63, v3  }
0x273: {  	s19 =	sadd.s32 $0x1, s19;
	v0 =	vadd.f32 v1, v0;
	v1 =	vmul.f32 v2, v2  }
0x274: {  	p0 =	sne.s32 s19, $0x1F;
	v2 =	vunpack.i.l.bf16.f32 v3  }
.Ltmp2:
0x275: {  	v0 =	vadd.f32 v0, v1;
	v1 =	vmul.f32 v2, v2;
	(pc) =	sbr.rel @p0 .LBB2_2-.Ltmp2, $3  }
0x276: {  	v2 =	vunpack.i.u.bf16.f32 v3  }
0x277: {  	v0 =	vadd.f32 v1, v0;
	v1 =	vmul.f32 v2, v2;
	_ =	sdelay $0x1  }
0x278: {  	v0 =	vadd.f32 v0, v1  }
0x279: {  	p1 =	sne.s32 s12, $0x3000  }
.Ltmp3:
0x27a: {  	_ =	swait.ge [sflag:s15], $0xD00;
	(pc) =	sbr.rel @!p1 .LBB2_8-.Ltmp3, $4  }
0x27b: {  	[sflag:s15] =	ssyncset.done $0x0  }
0x27c: {  	s19 =	sshra.s32 s12, $0x2;
	[sflag:s15] =	ssyncadd.s32 $0xFFFFF300  }
0x27d: {  	v1 =	vld [tilespmem:s19+$0x18700]  }
0x27e: {  	s20 =	sadd.s32 $0x400, s12;
	p0 =	por $0x0, $0x0;
	v2 =	vld [tilespmem:s19+$0x18780]  }
0x27f: {  	_ = 	snop  }
0x280: {  	v3 =	vld [tilespmem:s19+$0x18710]  }
0x281: {  	v4 =	vld [tilespmem:s19+$0x18790]  }
0x282: {  	v5 =	vld [tilespmem:s19+$0x18720]  }
0x283: {  	v6 =	vld [tilespmem:s19+$0x187A0]  }
0x284: {  	v7 =	vld [tilespmem:s19+$0x18730]  }
0x285: {  	v8 =	vld [tilespmem:s19+$0x187B0]  }
0x286: {  	v1 =	vld.idx.msk [tilespmem:v1+s3+$0x0], $0xffff  }
0x287: {  	v2 =	vld.idx.msk [tilespmem:v2+s3+$0x0], $0xffff  }
0x288: {  	v9 =	vld [tilespmem:s19+$0x18740]  }
0x289: {  	v12 =	vld [tilespmem:s19+$0x187D0]  }
0x28a: {  	v3 =	vld.idx.msk [tilespmem:v3+s3+$0x0], $0xffff  }
0x28b: {  	v4 =	vld.idx.msk [tilespmem:v4+s3+$0x0], $0xffff  }
0x28c: {  	v5 =	vld.idx.msk [tilespmem:v5+s3+$0x0], $0xffff;
	v1 =	vsub.bf16 v1, v2  }
0x28d: {  	v6 =	vld.idx.msk [tilespmem:v6+s3+$0x0], $0xffff  }
0x28e: {  	v7 =	vld.idx.msk [tilespmem:v7+s3+$0x0], $0xffff;
	v10 =	vunpack.i.l.bf16.f32 v1  }
0x28f: {  	v2 =	vld [tilespmem:s19+$0x187C0];
	v10 =	vmul.f32 v10, v10  }
0x290: {  	v8 =	vld.idx.msk [tilespmem:v8+s3+$0x0], $0xffff;
	v1 =	vunpack.i.u.bf16.f32 v1;
	v3 =	vsub.bf16 v3, v4  }
0x291: {  	v1 =	vmul.f32 v1, v1;
	v4 =	vadd.f32 v10, v0  }
0x292: {  	v11 =	vld [tilespmem:s19+$0x18750];
	v10 =	vunpack.i.l.bf16.f32 v3  }
0x293: {  	v13 =	vld [tilespmem:s19+$0x18760];
	v1 =	vadd.f32 v4, v1;
	v4 =	vmul.f32 v10, v10  }
0x294: {  	v9 =	vld.idx.msk [tilespmem:v9+s3+$0x0], $0xffff;
	v5 =	vsub.bf16 v5, v6;
	v10 =	vunpack.i.u.bf16.f32 v3  }
0x295: {  	v8 =	vsub.bf16 v7, v8;
	v7 =	vld.idx.msk [tilespmem:v12+s3+$0x0], $0xffff;
	v1 =	vadd.f32 v4, v1;
	v4 =	vmul.f32 v10, v10  }
0x296: {  	v6 =	vunpack.i.l.bf16.f32 v5;
	v3 =	vld [tilespmem:s19+$0x187E0]  }
0x297: {  	v10 =	vld.idx.msk [tilespmem:v2+s3+$0x0], $0xffff;
	v2 =	vmul.f32 v6, v6;
	v1 =	vadd.f32 v1, v4  }
0x298: {  	p1 =	sne.s32 s20, $0x3000;
	v6 =	vunpack.i.u.bf16.f32 v5;
	v5 =	vld [tilespmem:s19+$0x187F0]  }
.Ltmp4:
0x299: {  	v14 =	vmul.f32 v6, v6;
	v4 =	vld [tilespmem:s19+$0x18770];
	v2 =	vadd.f32 v2, v1;
	(pc) =	sbr.rel @!p1 .LBB2_11-.Ltmp4, $4  }
0x29a: {  	v6 =	vld.idx.msk [tilespmem:v11+s3+$0x0], $0xffff;
	v11 =	vunpack.i.l.bf16.f32 v8;
	s19 =	sshra.s32 s20, $0x2  }
0x29b: {  	v11 =	vmul.f32 v11, v11;
	v1 =	vld [tilespmem:s19+$0x18700];
	v63 =	vadd.f32 v2, v14  }
0x29c: {  	v8 =	vunpack.i.u.bf16.f32 v8;
	v9 =	vsub.bf16 v9, v10;
	v2 =	vld [tilespmem:s19+$0x18780]  }
0x29d: {  	p0 =	por $0x1, $0x1;
	s20 =	sadd.s32 $0x400, s20;
	v10 =	vadd.f32 v11, v63;
	v11 =	vmul.f32 v8, v8;
	v8 =	vld.idx.msk [tilespmem:v13+s3+$0x0], $0xffff  }
.LBB2_10:
0x29e: {  	p1 =	sne.s32 s20, $0x3000;
	v12 =	vunpack.i.l.bf16.f32 v9;
	v3 =	vld.idx.msk [tilespmem:v3+s3+$0x0], $0xffff  }
0x29f: {  	v13 =	vld [tilespmem:s19+$0x18710];
	v10 =	vadd.f32 v10, v11;
	v11 =	vmul.f32 v12, v12  }
0x2a0: {  	v9 =	vunpack.i.u.bf16.f32 v9;
	v6 =	vsub.bf16 v6, v7;
	v12 =	vld [tilespmem:s19+$0x18790]  }
0x2a1: {  	v9 =	vmul.f32 v9, v9;
	v7 =	vadd.f32 v11, v10;
	v4 =	vld.idx.msk [tilespmem:v4+s3+$0x0], $0xffff  }
0x2a2: {  	v10 =	vunpack.i.l.bf16.f32 v6;
	v5 =	vld.idx.msk [tilespmem:v5+s3+$0x0], $0xffff  }
0x2a3: {  	v11 =	vld [tilespmem:s19+$0x18720];
	v7 =	vadd.f32 v7, v9;
	v9 =	vmul.f32 v10, v10  }
0x2a4: {  	v6 =	vunpack.i.u.bf16.f32 v6;
	v3 =	vsub.bf16 v8, v3;
	v10 =	vld [tilespmem:s19+$0x187A0]  }
0x2a5: {  	v6 =	vmul.f32 v6, v6;
	v1 =	vld.idx.msk [tilespmem:v1+s3+$0x0], $0xffff;
	v7 =	vadd.f32 v9, v7  }
0x2a6: {  	v8 =	vunpack.i.l.bf16.f32 v3;
	v2 =	vld.idx.msk [tilespmem:v2+s3+$0x0], $0xffff  }
0x2a7: {  	v9 =	vld [tilespmem:s19+$0x18730];
	v6 =	vadd.f32 v7, v6;
	v7 =	vmul.f32 v8, v8  }
0x2a8: {  	v3 =	vunpack.i.u.bf16.f32 v3;
	v4 =	vsub.bf16 v4, v5;
	v8 =	vld [tilespmem:s19+$0x187B0]  }
0x2a9: {  	v3 =	vmul.f32 v3, v3;
	v5 =	vld.idx.msk [tilespmem:v13+s3+$0x0], $0xffff;
	v6 =	vadd.f32 v7, v6  }
0x2aa: {  	v7 =	vld.idx.msk [tilespmem:v12+s3+$0x0], $0xffff;
	v12 =	vunpack.i.l.bf16.f32 v4  }
0x2ab: {  	v13 =	vld [tilespmem:s19+$0x18740];
	v3 =	vadd.f32 v6, v3;
	v6 =	vmul.f32 v12, v12  }
0x2ac: {  	v4 =	vunpack.i.u.bf16.f32 v4;
	v1 =	vsub.bf16 v1, v2;
	v2 =	vld [tilespmem:s19+$0x187C0]  }
0x2ad: {  	v4 =	vmul.f32 v4, v4;
	v11 =	vld.idx.msk [tilespmem:v11+s3+$0x0], $0xffff;
	v3 =	vadd.f32 v6, v3  }
0x2ae: {  	v6 =	vunpack.i.l.bf16.f32 v1;
	v10 =	vld.idx.msk [tilespmem:v10+s3+$0x0], $0xffff  }
0x2af: {  	v6 =	vmul.f32 v6, v6;
	v12 =	vld [tilespmem:s19+$0x18750];
	v3 =	vadd.f32 v3, v4  }
0x2b0: {  	v1 =	vunpack.i.u.bf16.f32 v1;
	v4 =	vsub.bf16 v5, v7;
	v7 =	vld [tilespmem:s19+$0x187D0]  }
0x2b1: {  	v1 =	vmul.f32 v1, v1;
	v3 =	vadd.f32 v6, v3;
	v5 =	vld.idx.msk [tilespmem:v9+s3+$0x0], $0xffff  }
0x2b2: {  	v6 =	vunpack.i.l.bf16.f32 v4;
	v8 =	vld.idx.msk [tilespmem:v8+s3+$0x0], $0xffff  }
0x2b3: {  	v6 =	vmul.f32 v6, v6;
	v1 =	vadd.f32 v3, v1;
	v14 =	vld [tilespmem:s19+$0x18760]  }
0x2b4: {  	v4 =	vunpack.i.u.bf16.f32 v4;
	v9 =	vsub.bf16 v11, v10;
	v3 =	vld [tilespmem:s19+$0x187E0]  }
0x2b5: {  	v4 =	vmul.f32 v4, v4;
	v1 =	vadd.f32 v6, v1;
	v10 =	vld.idx.msk [tilespmem:v13+s3+$0x0], $0xffff  }
0x2b6: {  	v6 =	vunpack.i.l.bf16.f32 v9;
	v11 =	vld.idx.msk [tilespmem:v2+s3+$0x0], $0xffff  }
0x2b7: {  	v2 =	vmul.f32 v6, v6;
	v1 =	vadd.f32 v1, v4;
	v4 =	vld [tilespmem:s19+$0x18770]  }
0x2b8: {  	v6 =	vunpack.i.u.bf16.f32 v9;
	v8 =	vsub.bf16 v5, v8;
	v5 =	vld [tilespmem:s19+$0x187F0]  }
.Ltmp5:
0x2b9: {  	v9 =	vmul.f32 v6, v6;
	v2 =	vadd.f32 v2, v1;
	v6 =	vld.idx.msk [tilespmem:v12+s3+$0x0], $0xffff;
	(pc) =	sbr.rel @p1 .LBB2_10-.Ltmp5, $4  }
0x2ba: {  	s19 =	sshra.s32 s20, $0x2;
	v12 =	vunpack.i.l.bf16.f32 v8;
	v7 =	vld.idx.msk [tilespmem:v7+s3+$0x0], $0xffff  }
0x2bb: {  	v12 =	vmul.f32 v12, v12;
	v1 =	vld [tilespmem:s19+$0x18700];
	v13 =	vadd.f32 v2, v9  }
0x2bc: {  	v8 =	vunpack.i.u.bf16.f32 v8;
	v9 =	vsub.bf16 v10, v11;
	v2 =	vld [tilespmem:s19+$0x18780]  }
0x2bd: {  	s20 =	sadd.s32 $0x400, s20;
	v11 =	vmul.f32 v8, v8;
	v10 =	vadd.f32 v12, v13;
	v8 =	vld.idx.msk [tilespmem:v14+s3+$0x0], $0xffff  }
.LBB2_11:
0x2be: {  	_ =	sdelay $0x2  }
0x2bf: {  	v12 =	vunpack.i.l.bf16.f32 @p0 v9  }
0x2c0: {  	v3 =	vld.idx.msk @p0 [tilespmem:v3+s3+$0x0], $0xffff;
	v10 =	vadd.f32 @p0 v10, v11;
	v11 =	vmul.f32 @p0 v12, v12  }
0x2c1: {  	v9 =	vunpack.i.u.bf16.f32 @p0 v9;
	v6 =	vsub.bf16 @p0 v6, v7  }
0x2c2: {  	v19 =	vld [tilespmem:s19+$0x18710];
	v9 =	vmul.f32 @p0 v9, v9;
	v10 =	vadd.f32 @p0 v11, v10  }
0x2c3: {  	v4 =	vld.idx.msk @p0 [tilespmem:v4+s3+$0x0], $0xffff;
	v11 =	vunpack.i.l.bf16.f32 @p0 v6  }
0x2c4: {  	v5 =	vld.idx.msk @p0 [tilespmem:v5+s3+$0x0], $0xffff;
	v9 =	vadd.f32 @p0 v10, v9;
	v10 =	vmul.f32 @p0 v11, v11  }
0x2c5: {  	v20 =	vld [tilespmem:s19+$0x18790];
	v6 =	vunpack.i.u.bf16.f32 @p0 v6;
	v3 =	vsub.bf16 @p0 v8, v3  }
0x2c6: {  	v21 =	vld [tilespmem:s19+$0x18720];
	v6 =	vmul.f32 @p0 v6, v6;
	v9 =	vadd.f32 @p0 v10, v9  }
0x2c7: {  	v22 =	vld [tilespmem:s19+$0x187A0];
	v12 =	vunpack.i.l.bf16.f32 @p0 v3  }
0x2c8: {  	v1 =	vld.idx.msk [tilespmem:v1+s3+$0x0], $0xffff;
	v6 =	vadd.f32 @p0 v9, v6;
	v9 =	vmul.f32 @p0 v12, v12  }
0x2c9: {  	v2 =	vld.idx.msk [tilespmem:v2+s3+$0x0], $0xffff;
	v4 =	vsub.bf16 @p0 v4, v5;
	v3 =	vunpack.i.u.bf16.f32 @p0 v3  }
0x2ca: {  	v23 =	vld [tilespmem:s19+$0x18730];
	v3 =	vmul.f32 @p0 v3, v3;
	v6 =	vadd.f32 @p0 v9, v6  }
0x2cb: {  	v24 =	vld [tilespmem:s19+$0x187B0];
	v12 =	vunpack.i.l.bf16.f32 @p0 v4  }
0x2cc: {  	v7 =	vld.idx.msk [tilespmem:v19+s3+$0x0], $0xffff;
	v3 =	vadd.f32 @p0 v6, v3;
	v6 =	vmul.f32 @p0 v12, v12  }
0x2cd: {  	v11 =	vld.idx.msk [tilespmem:v20+s3+$0x0], $0xffff;
	v4 =	vunpack.i.u.bf16.f32 @p0 v4  }
0x2ce: {  	v25 =	vld [tilespmem:s19+$0x18740];
	v1 =	vsub.bf16 v1, v2;
	v2 =	vadd.f32 @p0 v6, v3;
	v3 =	vmul.f32 @p0 v4, v4  }
0x2cf: {  	v26 =	vld [tilespmem:s19+$0x187C0]  }
0x2d0: {  	v27 =	vld.idx.msk [tilespmem:v21+s3+$0x0], $0xffff;
	v28 =	vunpack.i.l.bf16.f32 v1;
	v2 =	vadd.f32 @p0 v2, v3  }
0x2d1: {  	v29 =	vld.idx.msk [tilespmem:v22+s3+$0x0], $0xffff;
	v8 =	vmul.f32 v28, v28  }
0x2d2: {  	v30 =	vld [tilespmem:s19+$0x18750];
	v1 =	vunpack.i.u.bf16.f32 v1;
	v7 =	vsub.bf16 v7, v11;
	v0 =	vpsel p0, v2, v0  }
0x2d3: {  	v31 =	vld [tilespmem:s19+$0x187D0];
	v1 =	vmul.f32 v1, v1;
	v0 =	vadd.f32 v8, v0  }
0x2d4: {  	v5 =	vld.idx.msk [tilespmem:v23+s3+$0x0], $0xffff;
	v32 =	vunpack.i.l.bf16.f32 v7  }
0x2d5: {  	v9 =	vld.idx.msk [tilespmem:v24+s3+$0x0], $0xffff;
	v33 =	vmul.f32 v32, v32;
	v0 =	vadd.f32 v0, v1  }
0x2d6: {  	v34 =	vld [tilespmem:s19+$0x18760];
	v7 =	vunpack.i.u.bf16.f32 v7;
	v3 =	vsub.bf16 v27, v29  }
0x2d7: {  	v35 =	vld [tilespmem:s19+$0x187E0];
	v36 =	vmul.f32 v7, v7;
	v0 =	vadd.f32 v33, v0  }
0x2d8: {  	v37 =	vld.idx.msk [tilespmem:v25+s3+$0x0], $0xffff;
	v38 =	vunpack.i.l.bf16.f32 v3  }
0x2d9: {  	v4 =	vld.idx.msk [tilespmem:v26+s3+$0x0], $0xffff;
	v39 =	vmul.f32 v38, v38;
	v0 =	vadd.f32 v0, v36  }
0x2da: {  	v40 =	vld [tilespmem:s19+$0x18770];
	v5 =	vsub.bf16 v5, v9;
	v3 =	vunpack.i.u.bf16.f32 v3  }
0x2db: {  	v41 =	vld [tilespmem:s19+$0x187F0];
	v42 =	vmul.f32 v3, v3;
	v0 =	vadd.f32 v39, v0  }
0x2dc: {  	v43 =	vld.idx.msk [tilespmem:v30+s3+$0x0], $0xffff;
	v44 =	vunpack.i.l.bf16.f32 v5  }
0x2dd: {  	v2 =	vld.idx.msk [tilespmem:v31+s3+$0x0], $0xffff;
	v45 =	vmul.f32 v44, v44;
	v0 =	vadd.f32 v0, v42  }
0x2de: {  	v5 =	vunpack.i.u.bf16.f32 v5;
	v4 =	vsub.bf16 v37, v4  }
0x2df: {  	v46 =	vmul.f32 v5, v5;
	v0 =	vadd.f32 v45, v0  }
0x2e0: {  	v47 =	vld.idx.msk [tilespmem:v34+s3+$0x0], $0xffff;
	v7 =	vunpack.i.l.bf16.f32 v4  }
0x2e1: {  	v6 =	vld.idx.msk [tilespmem:v35+s3+$0x0], $0xffff;
	v48 =	vmul.f32 v7, v7;
	v0 =	vadd.f32 v0, v46  }
0x2e2: {  	v4 =	vunpack.i.u.bf16.f32 v4;
	v2 =	vsub.bf16 v43, v2  }
0x2e3: {  	v49 =	vmul.f32 v4, v4;
	v0 =	vadd.f32 v48, v0  }
0x2e4: {  	v50 =	vld.idx.msk [tilespmem:v40+s3+$0x0], $0xffff;
	v51 =	vunpack.i.l.bf16.f32 v2  }
0x2e5: {  	v52 =	vld.idx.msk [tilespmem:v41+s3+$0x0], $0xffff;
	v53 =	vmul.f32 v51, v51;
	v0 =	vadd.f32 v0, v49  }
0x2e6: {  	v54 =	vsub.bf16 v47, v6;
	v2 =	vunpack.i.u.bf16.f32 v2  }
0x2e7: {  	v55 =	vmul.f32 v2, v2;
	v0 =	vadd.f32 v53, v0  }
0x2e8: {  	v56 =	vunpack.i.l.bf16.f32 v54  }
0x2e9: {  	v57 =	vmul.f32 v56, v56;
	v0 =	vadd.f32 v0, v55  }
0x2ea: {  	v3 =	vsub.bf16 v50, v52;
	v58 =	vunpack.i.u.bf16.f32 v54  }
0x2eb: {  	v59 =	vmul.f32 v58, v58;
	v0 =	vadd.f32 v57, v0  }
0x2ec: {  	v60 =	vunpack.i.l.bf16.f32 v3  }
0x2ed: {  	v61 =	vmul.f32 v60, v60;
	v0 =	vadd.f32 v0, v59  }
0x2ee: {  	v62 =	vunpack.i.u.bf16.f32 v3  }
0x2ef: {  	v63 =	vmul.f32 v62, v62;
	v0 =	vadd.f32 v61, v0;
	_ =	sdelay $0x1  }
0x2f0: {  	v0 =	vadd.f32 v0, v63  }
0x2f1: {  	s18 =	sadd.s32 $0x1, s18  }
0x2f2: {  	p0 =	sne.s32 s18, s11;
	[tilespmem:$0x1B900] =	vst v0  }
0x2f3: {  	[hbm4b:s10+s3] =	stream.linear.scatter [tilespmem:s16], [sflag:$0x3], $0x80, $0x38;
	[tilespmem:$0x1B980] =	vst v63  }
.Ltmp6:
0x2f4: {  	_ = 	snop;
	(pc) =	sbr.rel @p0 .LBB2_1-.Ltmp6, $4  }
.Ltmp7:
0x2f5: {  	_ = 	snop;
	(pc) =	sbr.rel @!p0 .LBB2_12-.Ltmp7, $4  }
0x2f6: {  	_ =	swait.ge [sflag:s17], $0x80  }
0x2f7: {  	[sflag:s17] =	ssyncset.done $0x0  }
0x2f8: {  	[sflag:s17] =	ssyncadd.s32 $0xFFFFFF80  }
0x2f9: {  	_ = 	snop  }
.LBB2_8:
.Ltmp8:
0x2fa: {  	(pc) =	sbr.rel .LBB2_11-.Ltmp8, $2  }
0x2fb: {  	_ =	sdelay $0x2  }
0x2fc: {  	_ = 	snop  }
.LBB2_12:
0x2fd: {  	_ =	sfence.sel $0x180000  }
0x2fe: {  	[bflag:$0x0] =	sbarrier.arrive $0xFFFF  }
0x2ff: {  	p0 =	sne.s32 s1, $0x0;
	_ =	strace $0x90000047  }
0x300: {  	s0 =	sadd.s32 @!p0 $0x100000, s0;
	[bflag:$0x2] =	sbarrier.arrive $0xFFFF  }
0x301: {  	[sflag:s0] =	ssyncadd.tile.s32 @!p0 $0x1;
	_ =	shalt  }
.Lfunc_end2:
_tile_overlayer_lowered:
.L_overlay_start_2:
0x302: {  	(tag) =	ssettag $0x2  }
0x303: {  	s0 =	rddreg [dreg:$0x0];
	s2 =	stileid.u32  }
0x304: {  	s1 =	rddreg [dreg:$0x1];
	p0 =	sne.s32 s2, $0x0  }
0x305: {  	s3 =	rddreg [dreg:$0x2];
	[bflag:$0x3] =	sbarrier.arrive $0xFFFF;
	s2 =	simm.s32 @!p0 $0x1C03  }
0x306: {  	[timem:s3], [sflag:s2] =	dma.local @!p0 [hbm:s0], s1  }
0x307: {  	s0 =	simm.s32 @!p0 $0x3  }
0x308: {  	_ =	swait.ge @!p0 [sflag:s0], s1  }
0x309: {  	s1 =	ssub.s32 @!p0 $0x0, s1;
	[sflag:s0] =	ssyncset.done @!p0 $0x0  }
0x30a: {  	[sflag:s0] =	ssyncadd.s32 @!p0 s1  }
0x30b: {  	[bflag:$0x3] =	sbarrier.arrive $0xFFFF  }
0x30c: {  	_ =	shalt  }

</sc_bundles>
